<compile_context>
chip_gen: v7x
topology: tpu7x:2x2x1
jax: 0.10.2.dev20260603
libtpu: 0.0.44.dev20260713+nightly
codegen_flags: <defaults>
</compile_context>

<pallas_src>
import functools

import jax
import jax.numpy as jnp
from jax import lax
from jax.experimental import pallas as pl
from jax.experimental.pallas import tpu as pltpu
from jax.experimental.pallas import tpu_sc as plsc

B = 16384
NC, NS, L = 2, 16, 16
NW = NC * NS
BPW = B // NW


@functools.partial(
    pl.kernel,
    mesh=plsc.VectorSubcoreMesh(core_axis_name="c", subcore_axis_name="s"),
    out_type=jax.ShapeDtypeStruct((B,), jnp.float32),
    scratch_types=[
        pltpu.VMEM((BPW,), jnp.int32),
        pltpu.VMEM((BPW,), jnp.float32),
        pltpu.SemaphoreType.DMA,
    ],
)
def _gather_sigmoid(idx_hbm, alpha_hbm, out_hbm, idx_v, vals_v, sem):
    wid = lax.axis_index("s") * NC + lax.axis_index("c")
    base = wid * BPW

    pltpu.sync_copy(idx_hbm.at[pl.ds(base, BPW)], idx_v)

    pltpu.async_copy(alpha_hbm.at[idx_v], vals_v, sem).wait()

    one = jnp.full((L,), 1.0, dtype=jnp.float32)
    for i in range(BPW // L):
        x = vals_v[pl.ds(i * L, L)]
        vals_v[pl.ds(i * L, L)] = one / (one + jnp.exp(-x))

    pltpu.sync_copy(vals_v, out_hbm.at[pl.ds(base, BPW)])


def kernel(idx, alpha):
    return _gather_sigmoid(idx.astype(jnp.int32), alpha)

# --- scband reference (transcript-rebuilt; emitter-appended) ---
"""Pipeline reference for scband-attention-params-35716948033759 (READ-ONLY COPY).

The authoritative reference and input builder live on the scoring server;
editing this copy changes nothing except your own understanding.
"""

import jax, jax.numpy as jnp
import numpy as np

N = 1000000
B = 16384

def setup_inputs(seed: int = 0) -> dict:
    key = jax.random.key(seed)
    k_idx, k_alpha = jax.random.split(key)
    idx = jax.random.randint(k_idx, (B,), 0, N, dtype=jnp.int64) if jax.config.jax_enable_x64 else jax.random.randint(k_idx, (B,), 0, N, dtype=jnp.int32)
    # learned parameter alpha (module inits to zeros; use small random values to avoid a degenerate all-0.5 output)
    alpha = jax.random.normal(k_alpha, (N,), dtype=jnp.float32) * 0.02
    return {"idx": idx, "alpha": alpha}

def reference(idx, alpha):
    # forward: probs = sigmoid(alpha[idx])
    gathered = jnp.take(alpha, idx, axis=0)
    probs = jax.nn.sigmoid(gathered)
    return probs

if __name__ == "__main__":
    import jax
    _d = setup_inputs()
    print(jax.jit(kernel)(*tuple(_d.values())))

</pallas_src>

<mosaic_0001>
#map = affine_map<(d0, d1) -> (0)>
module attributes {stable_mosaic.version = 14 : i64} {
  func.func @_gather_sigmoid(%arg0: i32, %arg1: i32, %arg2: memref<16384xi32, #tpu.memory_space<hbm>>, %arg3: memref<1000000xf32, #tpu.memory_space<hbm>>, %arg4: memref<16384xf32, #tpu.memory_space<hbm>>, %arg5: memref<512xi32, #tpu.memory_space<vmem>>, %arg6: memref<512xf32, #tpu.memory_space<vmem>>, %arg7: memref<!tpu.dma_semaphore, #tpu.memory_space<semaphore_mem>>) attributes {dimension_semantics = [#tpu.dimension_semantics<core_parallel>, #tpu.dimension_semantics<subcore_parallel>], iteration_bounds = array<i64: 2, 16>, scalar_prefetch = 0 : i64, scratch_operands = 3 : i64, tpu.core_type = #tpu.core_type<sc_vector_subcore>, window_params = [{transform_indices = #map}, {transform_indices = #map}, {transform_indices = #map}]} {
    %mul3A = arith.constant 2 : i32
    %mul3A_0 = arith.muli %arg1, %mul3A : i32
    %add3A = arith.addi %mul3A_0, %arg0 : i32
    %mul3A_1 = arith.constant 512 : i32
    %mul3A_2 = arith.muli %add3A, %mul3A_1 : i32
    "tpu.region"() ({
      %run_scoped3A = tpu.sem_alloc : memref<!tpu.dma_semaphore, #tpu.memory_space<semaphore_mem>>
      %dma_start3A_417 = tpu.memref_slice %arg2[%mul3A_2] : memref<16384xi32, #tpu.memory_space<hbm>> -> memref<512xi32, #tpu.memory_space<hbm>>
      %dma_start3A_418 = tpu.memref_slice %arg2[%mul3A_2] : memref<16384xi32, #tpu.memory_space<hbm>> -> memref<512xi32, #tpu.memory_space<hbm>>
      tpu.enqueue_dma source(%dma_start3A_418 : memref<512xi32, #tpu.memory_space<hbm>>) target(%arg5 : memref<512xi32, #tpu.memory_space<vmem>>) target_semaphore(%run_scoped3A : memref<!tpu.dma_semaphore, #tpu.memory_space<semaphore_mem>>)
      %dma_wait3A_419 = tpu.memref_slice %arg2[%mul3A_2] : memref<16384xi32, #tpu.memory_space<hbm>> -> memref<512xi32, #tpu.memory_space<hbm>>
      %dma_wait3A_420 = tpu.memref_slice %arg2[%mul3A_2] : memref<16384xi32, #tpu.memory_space<hbm>> -> memref<512xi32, #tpu.memory_space<hbm>>
      tpu.wait_dma2 semaphore(%run_scoped3A : memref<!tpu.dma_semaphore, #tpu.memory_space<semaphore_mem>>) src(%dma_wait3A_420 : memref<512xi32, #tpu.memory_space<hbm>>) dst(%arg5 : memref<512xi32, #tpu.memory_space<vmem>>)
      tpu.yield
    }) : () -> ()
    %dma_start3A = arith.constant 0 : i32
    %dma_start3A_3 = tpu.memref_slice %arg3[%dma_start3A] : memref<1000000xf32, #tpu.memory_space<hbm>> -> memref<1000000xf32, #tpu.memory_space<hbm>>
    tpu.enqueue_indirect_dma source(%dma_start3A_3 : memref<1000000xf32, #tpu.memory_space<hbm>>) target(%arg6 : memref<512xf32, #tpu.memory_space<vmem>>) offsets(%arg5 : memref<512xi32, #tpu.memory_space<vmem>>) semaphore(%arg7 : memref<!tpu.dma_semaphore, #tpu.memory_space<semaphore_mem>>)
    %dma_wait3A = arith.constant 0 : i32
    %dma_wait3A_4 = tpu.memref_slice %arg3[%dma_wait3A] : memref<1000000xf32, #tpu.memory_space<hbm>> -> memref<1000000xf32, #tpu.memory_space<hbm>>
    tpu.wait_indirect_dma semaphore(%arg7 : memref<!tpu.dma_semaphore, #tpu.memory_space<semaphore_mem>>) src(%dma_wait3A_4 : memref<1000000xf32, #tpu.memory_space<hbm>>) dst(%arg6 : memref<512xf32, #tpu.memory_space<vmem>>)
    %broadcast_in_dim3A = arith.constant 1.000000e+00 : f32
    %broadcast_in_dim3A_5 = vector.broadcast %broadcast_in_dim3A : f32 to vector<16xf32>
    %get3A = arith.constant 0 : index
    %get3A_6 = tpu.vector_load %arg6[%get3A] {strides = array<i32>} : memref<512xf32, #tpu.memory_space<vmem>>, vector<16xf32>,
    %get3A_7 = vector.shape_cast %get3A_6 : vector<16xf32> to vector<16xf32>
    %neg3A = arith.constant 0.000000e+00 : f32
    %neg3A_8 = vector.broadcast %neg3A : f32 to vector<16xf32>
    %neg3A_9 = arith.subf %neg3A_8, %get3A_7 : vector<16xf32>
    %exp3A = math.exp %neg3A_9 : vector<16xf32>
    %add3A_10 = arith.addf %broadcast_in_dim3A_5, %exp3A : vector<16xf32>
    %div3A = arith.divf %broadcast_in_dim3A_5, %add3A_10 : vector<16xf32>
    %swap3A = arith.constant 0 : index
    %swap3A_11 = tpu.vector_load %arg6[%swap3A] {strides = array<i32>} : memref<512xf32, #tpu.memory_space<vmem>>, vector<16xf32>,
    %swap3A_12 = vector.shape_cast %swap3A_11 : vector<16xf32> to vector<16xf32>
    %swap3A_13 = vector.shape_cast %div3A : vector<16xf32> to vector<16xf32>
    tpu.vector_store %arg6[%swap3A], %swap3A_13 {strides = array<i32>} : memref<512xf32, #tpu.memory_space<vmem>>, vector<16xf32>,
    %get3A_14 = arith.constant 16 : index
    %get3A_15 = tpu.vector_load %arg6[%get3A_14] {strides = array<i32>} : memref<512xf32, #tpu.memory_space<vmem>>, vector<16xf32>,
    %get3A_16 = vector.shape_cast %get3A_15 : vector<16xf32> to vector<16xf32>
    %neg3A_17 = arith.constant 0.000000e+00 : f32
    %neg3A_18 = vector.broadcast %neg3A_17 : f32 to vector<16xf32>
    %neg3A_19 = arith.subf %neg3A_18, %get3A_16 : vector<16xf32>
    %exp3A_20 = math.exp %neg3A_19 : vector<16xf32>
    %add3A_21 = arith.addf %broadcast_in_dim3A_5, %exp3A_20 : vector<16xf32>
    %div3A_22 = arith.divf %broadcast_in_dim3A_5, %add3A_21 : vector<16xf32>
    %swap3A_23 = arith.constant 16 : index
    %swap3A_24 = tpu.vector_load %arg6[%swap3A_23] {strides = array<i32>} : memref<512xf32, #tpu.memory_space<vmem>>, vector<16xf32>,
    %swap3A_25 = vector.shape_cast %swap3A_24 : vector<16xf32> to vector<16xf32>
    %swap3A_26 = vector.shape_cast %div3A_22 : vector<16xf32> to vector<16xf32>
    tpu.vector_store %arg6[%swap3A_23], %swap3A_26 {strides = array<i32>} : memref<512xf32, #tpu.memory_space<vmem>>, vector<16xf32>,
    %get3A_27 = arith.constant 32 : index
    %get3A_28 = tpu.vector_load %arg6[%get3A_27] {strides = array<i32>} : memref<512xf32, #tpu.memory_space<vmem>>, vector<16xf32>,
    %get3A_29 = vector.shape_cast %get3A_28 : vector<16xf32> to vector<16xf32>
    %neg3A_30 = arith.constant 0.000000e+00 : f32
    %neg3A_31 = vector.broadcast %neg3A_30 : f32 to vector<16xf32>
    %neg3A_32 = arith.subf %neg3A_31, %get3A_29 : vector<16xf32>
    %exp3A_33 = math.exp %neg3A_32 : vector<16xf32>
    %add3A_34 = arith.addf %broadcast_in_dim3A_5, %exp3A_33 : vector<16xf32>
    %div3A_35 = arith.divf %broadcast_in_dim3A_5, %add3A_34 : vector<16xf32>
    %swap3A_36 = arith.constant 32 : index
    %swap3A_37 = tpu.vector_load %arg6[%swap3A_36] {strides = array<i32>} : memref<512xf32, #tpu.memory_space<vmem>>, vector<16xf32>,
    %swap3A_38 = vector.shape_cast %swap3A_37 : vector<16xf32> to vector<16xf32>
    %swap3A_39 = vector.shape_cast %div3A_35 : vector<16xf32> to vector<16xf32>
    tpu.vector_store %arg6[%swap3A_36], %swap3A_39 {strides = array<i32>} : memref<512xf32, #tpu.memory_space<vmem>>, vector<16xf32>,
    %get3A_40 = arith.constant 48 : index
    %get3A_41 = tpu.vector_load %arg6[%get3A_40] {strides = array<i32>} : memref<512xf32, #tpu.memory_space<vmem>>, vector<16xf32>,
    %get3A_42 = vector.shape_cast %get3A_41 : vector<16xf32> to vector<16xf32>
    %neg3A_43 = arith.constant 0.000000e+00 : f32
    %neg3A_44 = vector.broadcast %neg3A_43 : f32 to vector<16xf32>
    %neg3A_45 = arith.subf %neg3A_44, %get3A_42 : vector<16xf32>
    %exp3A_46 = math.exp %neg3A_45 : vector<16xf32>
    %add3A_47 = arith.addf %broadcast_in_dim3A_5, %exp3A_46 : vector<16xf32>
    %div3A_48 = arith.divf %broadcast_in_dim3A_5, %add3A_47 : vector<16xf32>
    %swap3A_49 = arith.constant 48 : index
    %swap3A_50 = tpu.vector_load %arg6[%swap3A_49] {strides = array<i32>} : memref<512xf32, #tpu.memory_space<vmem>>, vector<16xf32>,
    %swap3A_51 = vector.shape_cast %swap3A_50 : vector<16xf32> to vector<16xf32>
    %swap3A_52 = vector.shape_cast %div3A_48 : vector<16xf32> to vector<16xf32>
    tpu.vector_store %arg6[%swap3A_49], %swap3A_52 {strides = array<i32>} : memref<512xf32, #tpu.memory_space<vmem>>, vector<16xf32>,
    %get3A_53 = arith.constant 64 : index
    %get3A_54 = tpu.vector_load %arg6[%get3A_53] {strides = array<i32>} : memref<512xf32, #tpu.memory_space<vmem>>, vector<16xf32>,
    %get3A_55 = vector.shape_cast %get3A_54 : vector<16xf32> to vector<16xf32>
    %neg3A_56 = arith.constant 0.000000e+00 : f32
    %neg3A_57 = vector.broadcast %neg3A_56 : f32 to vector<16xf32>
    %neg3A_58 = arith.subf %neg3A_57, %get3A_55 : vector<16xf32>
    %exp3A_59 = math.exp %neg3A_58 : vector<16xf32>
    %add3A_60 = arith.addf %broadcast_in_dim3A_5, %exp3A_59 : vector<16xf32>
    %div3A_61 = arith.divf %broadcast_in_dim3A_5, %add3A_60 : vector<16xf32>
    %swap3A_62 = arith.constant 64 : index
    %swap3A_63 = tpu.vector_load %arg6[%swap3A_62] {strides = array<i32>} : memref<512xf32, #tpu.memory_space<vmem>>, vector<16xf32>,
    %swap3A_64 = vector.shape_cast %swap3A_63 : vector<16xf32> to vector<16xf32>
    %swap3A_65 = vector.shape_cast %div3A_61 : vector<16xf32> to vector<16xf32>
    tpu.vector_store %arg6[%swap3A_62], %swap3A_65 {strides = array<i32>} : memref<512xf32, #tpu.memory_space<vmem>>, vector<16xf32>,
    %get3A_66 = arith.constant 80 : index
    %get3A_67 = tpu.vector_load %arg6[%get3A_66] {strides = array<i32>} : memref<512xf32, #tpu.memory_space<vmem>>, vector<16xf32>,
    %get3A_68 = vector.shape_cast %get3A_67 : vector<16xf32> to vector<16xf32>
    %neg3A_69 = arith.constant 0.000000e+00 : f32
    %neg3A_70 = vector.broadcast %neg3A_69 : f32 to vector<16xf32>
    %neg3A_71 = arith.subf %neg3A_70, %get3A_68 : vector<16xf32>
    %exp3A_72 = math.exp %neg3A_71 : vector<16xf32>
    %add3A_73 = arith.addf %broadcast_in_dim3A_5, %exp3A_72 : vector<16xf32>
    %div3A_74 = arith.divf %broadcast_in_dim3A_5, %add3A_73 : vector<16xf32>
    %swap3A_75 = arith.constant 80 : index
    %swap3A_76 = tpu.vector_load %arg6[%swap3A_75] {strides = array<i32>} : memref<512xf32, #tpu.memory_space<vmem>>, vector<16xf32>,
    %swap3A_77 = vector.shape_cast %swap3A_76 : vector<16xf32> to vector<16xf32>
    %swap3A_78 = vector.shape_cast %div3A_74 : vector<16xf32> to vector<16xf32>
    tpu.vector_store %arg6[%swap3A_75], %swap3A_78 {strides = array<i32>} : memref<512xf32, #tpu.memory_space<vmem>>, vector<16xf32>,
    %get3A_79 = arith.constant 96 : index
    %get3A_80 = tpu.vector_load %arg6[%get3A_79] {strides = array<i32>} : memref<512xf32, #tpu.memory_space<vmem>>, vector<16xf32>,
    %get3A_81 = vector.shape_cast %get3A_80 : vector<16xf32> to vector<16xf32>
    %neg3A_82 = arith.constant 0.000000e+00 : f32
    %neg3A_83 = vector.broadcast %neg3A_82 : f32 to vector<16xf32>
    %neg3A_84 = arith.subf %neg3A_83, %get3A_81 : vector<16xf32>
    %exp3A_85 = math.exp %neg3A_84 : vector<16xf32>
    %add3A_86 = arith.addf %broadcast_in_dim3A_5, %exp3A_85 : vector<16xf32>
    %div3A_87 = arith.divf %broadcast_in_dim3A_5, %add3A_86 : vector<16xf32>
    %swap3A_88 = arith.constant 96 : index
    %swap3A_89 = tpu.vector_load %arg6[%swap3A_88] {strides = array<i32>} : memref<512xf32, #tpu.memory_space<vmem>>, vector<16xf32>,
    %swap3A_90 = vector.shape_cast %swap3A_89 : vector<16xf32> to vector<16xf32>
    %swap3A_91 = vector.shape_cast %div3A_87 : vector<16xf32> to vector<16xf32>
    tpu.vector_store %arg6[%swap3A_88], %swap3A_91 {strides = array<i32>} : memref<512xf32, #tpu.memory_space<vmem>>, vector<16xf32>,
    %get3A_92 = arith.constant 112 : index
    %get3A_93 = tpu.vector_load %arg6[%get3A_92] {strides = array<i32>} : memref<512xf32, #tpu.memory_space<vmem>>, vector<16xf32>,
    %get3A_94 = vector.shape_cast %get3A_93 : vector<16xf32> to vector<16xf32>
    %neg3A_95 = arith.constant 0.000000e+00 : f32
    %neg3A_96 = vector.broadcast %neg3A_95 : f32 to vector<16xf32>
    %neg3A_97 = arith.subf %neg3A_96, %get3A_94 : vector<16xf32>
    %exp3A_98 = math.exp %neg3A_97 : vector<16xf32>
    %add3A_99 = arith.addf %broadcast_in_dim3A_5, %exp3A_98 : vector<16xf32>
    %div3A_100 = arith.divf %broadcast_in_dim3A_5, %add3A_99 : vector<16xf32>
    %swap3A_101 = arith.constant 112 : index
    %swap3A_102 = tpu.vector_load %arg6[%swap3A_101] {strides = array<i32>} : memref<512xf32, #tpu.memory_space<vmem>>, vector<16xf32>,
    %swap3A_103 = vector.shape_cast %swap3A_102 : vector<16xf32> to vector<16xf32>
    %swap3A_104 = vector.shape_cast %div3A_100 : vector<16xf32> to vector<16xf32>
    tpu.vector_store %arg6[%swap3A_101], %swap3A_104 {strides = array<i32>} : memref<512xf32, #tpu.memory_space<vmem>>, vector<16xf32>,
    %get3A_105 = arith.constant 128 : index
    %get3A_106 = tpu.vector_load %arg6[%get3A_105] {strides = array<i32>} : memref<512xf32, #tpu.memory_space<vmem>>, vector<16xf32>,
    %get3A_107 = vector.shape_cast %get3A_106 : vector<16xf32> to vector<16xf32>
    %neg3A_108 = arith.constant 0.000000e+00 : f32
    %neg3A_109 = vector.broadcast %neg3A_108 : f32 to vector<16xf32>
    %neg3A_110 = arith.subf %neg3A_109, %get3A_107 : vector<16xf32>
    %exp3A_111 = math.exp %neg3A_110 : vector<16xf32>
    %add3A_112 = arith.addf %broadcast_in_dim3A_5, %exp3A_111 : vector<16xf32>
    %div3A_113 = arith.divf %broadcast_in_dim3A_5, %add3A_112 : vector<16xf32>
    %swap3A_114 = arith.constant 128 : index
    %swap3A_115 = tpu.vector_load %arg6[%swap3A_114] {strides = array<i32>} : memref<512xf32, #tpu.memory_space<vmem>>, vector<16xf32>,
    %swap3A_116 = vector.shape_cast %swap3A_115 : vector<16xf32> to vector<16xf32>
    %swap3A_117 = vector.shape_cast %div3A_113 : vector<16xf32> to vector<16xf32>
    tpu.vector_store %arg6[%swap3A_114], %swap3A_117 {strides = array<i32>} : memref<512xf32, #tpu.memory_space<vmem>>, vector<16xf32>,
    %get3A_118 = arith.constant 144 : index
    %get3A_119 = tpu.vector_load %arg6[%get3A_118] {strides = array<i32>} : memref<512xf32, #tpu.memory_space<vmem>>, vector<16xf32>,
    %get3A_120 = vector.shape_cast %get3A_119 : vector<16xf32> to vector<16xf32>
    %neg3A_121 = arith.constant 0.000000e+00 : f32
    %neg3A_122 = vector.broadcast %neg3A_121 : f32 to vector<16xf32>
    %neg3A_123 = arith.subf %neg3A_122, %get3A_120 : vector<16xf32>
    %exp3A_124 = math.exp %neg3A_123 : vector<16xf32>
    %add3A_125 = arith.addf %broadcast_in_dim3A_5, %exp3A_124 : vector<16xf32>
    %div3A_126 = arith.divf %broadcast_in_dim3A_5, %add3A_125 : vector<16xf32>
    %swap3A_127 = arith.constant 144 : index
    %swap3A_128 = tpu.vector_load %arg6[%swap3A_127] {strides = array<i32>} : memref<512xf32, #tpu.memory_space<vmem>>, vector<16xf32>,
    %swap3A_129 = vector.shape_cast %swap3A_128 : vector<16xf32> to vector<16xf32>
    %swap3A_130 = vector.shape_cast %div3A_126 : vector<16xf32> to vector<16xf32>
    tpu.vector_store %arg6[%swap3A_127], %swap3A_130 {strides = array<i32>} : memref<512xf32, #tpu.memory_space<vmem>>, vector<16xf32>,
    %get3A_131 = arith.constant 160 : index
    %get3A_132 = tpu.vector_load %arg6[%get3A_131] {strides = array<i32>} : memref<512xf32, #tpu.memory_space<vmem>>, vector<16xf32>,
    %get3A_133 = vector.shape_cast %get3A_132 : vector<16xf32> to vector<16xf32>
    %neg3A_134 = arith.constant 0.000000e+00 : f32
    %neg3A_135 = vector.broadcast %neg3A_134 : f32 to vector<16xf32>
    %neg3A_136 = arith.subf %neg3A_135, %get3A_133 : vector<16xf32>
    %exp3A_137 = math.exp %neg3A_136 : vector<16xf32>
    %add3A_138 = arith.addf %broadcast_in_dim3A_5, %exp3A_137 : vector<16xf32>
    %div3A_139 = arith.divf %broadcast_in_dim3A_5, %add3A_138 : vector<16xf32>
    %swap3A_140 = arith.constant 160 : index
    %swap3A_141 = tpu.vector_load %arg6[%swap3A_140] {strides = array<i32>} : memref<512xf32, #tpu.memory_space<vmem>>, vector<16xf32>,
    %swap3A_142 = vector.shape_cast %swap3A_141 : vector<16xf32> to vector<16xf32>
    %swap3A_143 = vector.shape_cast %div3A_139 : vector<16xf32> to vector<16xf32>
    tpu.vector_store %arg6[%swap3A_140], %swap3A_143 {strides = array<i32>} : memref<512xf32, #tpu.memory_space<vmem>>, vector<16xf32>,
    %get3A_144 = arith.constant 176 : index
    %get3A_145 = tpu.vector_load %arg6[%get3A_144] {strides = array<i32>} : memref<512xf32, #tpu.memory_space<vmem>>, vector<16xf32>,
    %get3A_146 = vector.shape_cast %get3A_145 : vector<16xf32> to vector<16xf32>
    %neg3A_147 = arith.constant 0.000000e+00 : f32
    %neg3A_148 = vector.broadcast %neg3A_147 : f32 to vector<16xf32>
    %neg3A_149 = arith.subf %neg3A_148, %get3A_146 : vector<16xf32>
    %exp3A_150 = math.exp %neg3A_149 : vector<16xf32>
    %add3A_151 = arith.addf %broadcast_in_dim3A_5, %exp3A_150 : vector<16xf32>
    %div3A_152 = arith.divf %broadcast_in_dim3A_5, %add3A_151 : vector<16xf32>
    %swap3A_153 = arith.constant 176 : index
    %swap3A_154 = tpu.vector_load %arg6[%swap3A_153] {strides = array<i32>} : memref<512xf32, #tpu.memory_space<vmem>>, vector<16xf32>,
    %swap3A_155 = vector.shape_cast %swap3A_154 : vector<16xf32> to vector<16xf32>
    %swap3A_156 = vector.shape_cast %div3A_152 : vector<16xf32> to vector<16xf32>
    tpu.vector_store %arg6[%swap3A_153], %swap3A_156 {strides = array<i32>} : memref<512xf32, #tpu.memory_space<vmem>>, vector<16xf32>,
    %get3A_157 = arith.constant 192 : index
    %get3A_158 = tpu.vector_load %arg6[%get3A_157] {strides = array<i32>} : memref<512xf32, #tpu.memory_space<vmem>>, vector<16xf32>,
    %get3A_159 = vector.shape_cast %get3A_158 : vector<16xf32> to vector<16xf32>
    %neg3A_160 = arith.constant 0.000000e+00 : f32
    %neg3A_161 = vector.broadcast %neg3A_160 : f32 to vector<16xf32>
    %neg3A_162 = arith.subf %neg3A_161, %get3A_159 : vector<16xf32>
    %exp3A_163 = math.exp %neg3A_162 : vector<16xf32>
    %add3A_164 = arith.addf %broadcast_in_dim3A_5, %exp3A_163 : vector<16xf32>
    %div3A_165 = arith.divf %broadcast_in_dim3A_5, %add3A_164 : vector<16xf32>
    %swap3A_166 = arith.constant 192 : index
    %swap3A_167 = tpu.vector_load %arg6[%swap3A_166] {strides = array<i32>} : memref<512xf32, #tpu.memory_space<vmem>>, vector<16xf32>,
    %swap3A_168 = vector.shape_cast %swap3A_167 : vector<16xf32> to vector<16xf32>
    %swap3A_169 = vector.shape_cast %div3A_165 : vector<16xf32> to vector<16xf32>
    tpu.vector_store %arg6[%swap3A_166], %swap3A_169 {strides = array<i32>} : memref<512xf32, #tpu.memory_space<vmem>>, vector<16xf32>,
    %get3A_170 = arith.constant 208 : index
    %get3A_171 = tpu.vector_load %arg6[%get3A_170] {strides = array<i32>} : memref<512xf32, #tpu.memory_space<vmem>>, vector<16xf32>,
    %get3A_172 = vector.shape_cast %get3A_171 : vector<16xf32> to vector<16xf32>
    %neg3A_173 = arith.constant 0.000000e+00 : f32
    %neg3A_174 = vector.broadcast %neg3A_173 : f32 to vector<16xf32>
    %neg3A_175 = arith.subf %neg3A_174, %get3A_172 : vector<16xf32>
    %exp3A_176 = math.exp %neg3A_175 : vector<16xf32>
    %add3A_177 = arith.addf %broadcast_in_dim3A_5, %exp3A_176 : vector<16xf32>
    %div3A_178 = arith.divf %broadcast_in_dim3A_5, %add3A_177 : vector<16xf32>
    %swap3A_179 = arith.constant 208 : index
    %swap3A_180 = tpu.vector_load %arg6[%swap3A_179] {strides = array<i32>} : memref<512xf32, #tpu.memory_space<vmem>>, vector<16xf32>,
    %swap3A_181 = vector.shape_cast %swap3A_180 : vector<16xf32> to vector<16xf32>
    %swap3A_182 = vector.shape_cast %div3A_178 : vector<16xf32> to vector<16xf32>
    tpu.vector_store %arg6[%swap3A_179], %swap3A_182 {strides = array<i32>} : memref<512xf32, #tpu.memory_space<vmem>>, vector<16xf32>,
    %get3A_183 = arith.constant 224 : index
    %get3A_184 = tpu.vector_load %arg6[%get3A_183] {strides = array<i32>} : memref<512xf32, #tpu.memory_space<vmem>>, vector<16xf32>,
    %get3A_185 = vector.shape_cast %get3A_184 : vector<16xf32> to vector<16xf32>
    %neg3A_186 = arith.constant 0.000000e+00 : f32
    %neg3A_187 = vector.broadcast %neg3A_186 : f32 to vector<16xf32>
    %neg3A_188 = arith.subf %neg3A_187, %get3A_185 : vector<16xf32>
    %exp3A_189 = math.exp %neg3A_188 : vector<16xf32>
    %add3A_190 = arith.addf %broadcast_in_dim3A_5, %exp3A_189 : vector<16xf32>
    %div3A_191 = arith.divf %broadcast_in_dim3A_5, %add3A_190 : vector<16xf32>
    %swap3A_192 = arith.constant 224 : index
    %swap3A_193 = tpu.vector_load %arg6[%swap3A_192] {strides = array<i32>} : memref<512xf32, #tpu.memory_space<vmem>>, vector<16xf32>,
    %swap3A_194 = vector.shape_cast %swap3A_193 : vector<16xf32> to vector<16xf32>
    %swap3A_195 = vector.shape_cast %div3A_191 : vector<16xf32> to vector<16xf32>
    tpu.vector_store %arg6[%swap3A_192], %swap3A_195 {strides = array<i32>} : memref<512xf32, #tpu.memory_space<vmem>>, vector<16xf32>,
    %get3A_196 = arith.constant 240 : index
    %get3A_197 = tpu.vector_load %arg6[%get3A_196] {strides = array<i32>} : memref<512xf32, #tpu.memory_space<vmem>>, vector<16xf32>,
    %get3A_198 = vector.shape_cast %get3A_197 : vector<16xf32> to vector<16xf32>
    %neg3A_199 = arith.constant 0.000000e+00 : f32
    %neg3A_200 = vector.broadcast %neg3A_199 : f32 to vector<16xf32>
    %neg3A_201 = arith.subf %neg3A_200, %get3A_198 : vector<16xf32>
    %exp3A_202 = math.exp %neg3A_201 : vector<16xf32>
    %add3A_203 = arith.addf %broadcast_in_dim3A_5, %exp3A_202 : vector<16xf32>
    %div3A_204 = arith.divf %broadcast_in_dim3A_5, %add3A_203 : vector<16xf32>
    %swap3A_205 = arith.constant 240 : index
    %swap3A_206 = tpu.vector_load %arg6[%swap3A_205] {strides = array<i32>} : memref<512xf32, #tpu.memory_space<vmem>>, vector<16xf32>,
    %swap3A_207 = vector.shape_cast %swap3A_206 : vector<16xf32> to vector<16xf32>
    %swap3A_208 = vector.shape_cast %div3A_204 : vector<16xf32> to vector<16xf32>
    tpu.vector_store %arg6[%swap3A_205], %swap3A_208 {strides = array<i32>} : memref<512xf32, #tpu.memory_space<vmem>>, vector<16xf32>,
    %get3A_209 = arith.constant 256 : index
    %get3A_210 = tpu.vector_load %arg6[%get3A_209] {strides = array<i32>} : memref<512xf32, #tpu.memory_space<vmem>>, vector<16xf32>,
    %get3A_211 = vector.shape_cast %get3A_210 : vector<16xf32> to vector<16xf32>
    %neg3A_212 = arith.constant 0.000000e+00 : f32
    %neg3A_213 = vector.broadcast %neg3A_212 : f32 to vector<16xf32>
    %neg3A_214 = arith.subf %neg3A_213, %get3A_211 : vector<16xf32>
    %exp3A_215 = math.exp %neg3A_214 : vector<16xf32>
    %add3A_216 = arith.addf %broadcast_in_dim3A_5, %exp3A_215 : vector<16xf32>
    %div3A_217 = arith.divf %broadcast_in_dim3A_5, %add3A_216 : vector<16xf32>
    %swap3A_218 = arith.constant 256 : index
    %swap3A_219 = tpu.vector_load %arg6[%swap3A_218] {strides = array<i32>} : memref<512xf32, #tpu.memory_space<vmem>>, vector<16xf32>,
    %swap3A_220 = vector.shape_cast %swap3A_219 : vector<16xf32> to vector<16xf32>
    %swap3A_221 = vector.shape_cast %div3A_217 : vector<16xf32> to vector<16xf32>
    tpu.vector_store %arg6[%swap3A_218], %swap3A_221 {strides = array<i32>} : memref<512xf32, #tpu.memory_space<vmem>>, vector<16xf32>,
    %get3A_222 = arith.constant 272 : index
    %get3A_223 = tpu.vector_load %arg6[%get3A_222] {strides = array<i32>} : memref<512xf32, #tpu.memory_space<vmem>>, vector<16xf32>,
    %get3A_224 = vector.shape_cast %get3A_223 : vector<16xf32> to vector<16xf32>
    %neg3A_225 = arith.constant 0.000000e+00 : f32
    %neg3A_226 = vector.broadcast %neg3A_225 : f32 to vector<16xf32>
    %neg3A_227 = arith.subf %neg3A_226, %get3A_224 : vector<16xf32>
    %exp3A_228 = math.exp %neg3A_227 : vector<16xf32>
    %add3A_229 = arith.addf %broadcast_in_dim3A_5, %exp3A_228 : vector<16xf32>
    %div3A_230 = arith.divf %broadcast_in_dim3A_5, %add3A_229 : vector<16xf32>
    %swap3A_231 = arith.constant 272 : index
    %swap3A_232 = tpu.vector_load %arg6[%swap3A_231] {strides = array<i32>} : memref<512xf32, #tpu.memory_space<vmem>>, vector<16xf32>,
    %swap3A_233 = vector.shape_cast %swap3A_232 : vector<16xf32> to vector<16xf32>
    %swap3A_234 = vector.shape_cast %div3A_230 : vector<16xf32> to vector<16xf32>
    tpu.vector_store %arg6[%swap3A_231], %swap3A_234 {strides = array<i32>} : memref<512xf32, #tpu.memory_space<vmem>>, vector<16xf32>,
    %get3A_235 = arith.constant 288 : index
    %get3A_236 = tpu.vector_load %arg6[%get3A_235] {strides = array<i32>} : memref<512xf32, #tpu.memory_space<vmem>>, vector<16xf32>,
    %get3A_237 = vector.shape_cast %get3A_236 : vector<16xf32> to vector<16xf32>
    %neg3A_238 = arith.constant 0.000000e+00 : f32
    %neg3A_239 = vector.broadcast %neg3A_238 : f32 to vector<16xf32>
    %neg3A_240 = arith.subf %neg3A_239, %get3A_237 : vector<16xf32>
    %exp3A_241 = math.exp %neg3A_240 : vector<16xf32>
    %add3A_242 = arith.addf %broadcast_in_dim3A_5, %exp3A_241 : vector<16xf32>
    %div3A_243 = arith.divf %broadcast_in_dim3A_5, %add3A_242 : vector<16xf32>
    %swap3A_244 = arith.constant 288 : index
    %swap3A_245 = tpu.vector_load %arg6[%swap3A_244] {strides = array<i32>} : memref<512xf32, #tpu.memory_space<vmem>>, vector<16xf32>,
    %swap3A_246 = vector.shape_cast %swap3A_245 : vector<16xf32> to vector<16xf32>
    %swap3A_247 = vector.shape_cast %div3A_243 : vector<16xf32> to vector<16xf32>
    tpu.vector_store %arg6[%swap3A_244], %swap3A_247 {strides = array<i32>} : memref<512xf32, #tpu.memory_space<vmem>>, vector<16xf32>,
    %get3A_248 = arith.constant 304 : index
    %get3A_249 = tpu.vector_load %arg6[%get3A_248] {strides = array<i32>} : memref<512xf32, #tpu.memory_space<vmem>>, vector<16xf32>,
    %get3A_250 = vector.shape_cast %get3A_249 : vector<16xf32> to vector<16xf32>
    %neg3A_251 = arith.constant 0.000000e+00 : f32
    %neg3A_252 = vector.broadcast %neg3A_251 : f32 to vector<16xf32>
    %neg3A_253 = arith.subf %neg3A_252, %get3A_250 : vector<16xf32>
    %exp3A_254 = math.exp %neg3A_253 : vector<16xf32>
    %add3A_255 = arith.addf %broadcast_in_dim3A_5, %exp3A_254 : vector<16xf32>
    %div3A_256 = arith.divf %broadcast_in_dim3A_5, %add3A_255 : vector<16xf32>
    %swap3A_257 = arith.constant 304 : index
    %swap3A_258 = tpu.vector_load %arg6[%swap3A_257] {strides = array<i32>} : memref<512xf32, #tpu.memory_space<vmem>>, vector<16xf32>,
    %swap3A_259 = vector.shape_cast %swap3A_258 : vector<16xf32> to vector<16xf32>
    %swap3A_260 = vector.shape_cast %div3A_256 : vector<16xf32> to vector<16xf32>
    tpu.vector_store %arg6[%swap3A_257], %swap3A_260 {strides = array<i32>} : memref<512xf32, #tpu.memory_space<vmem>>, vector<16xf32>,
    %get3A_261 = arith.constant 320 : index
    %get3A_262 = tpu.vector_load %arg6[%get3A_261] {strides = array<i32>} : memref<512xf32, #tpu.memory_space<vmem>>, vector<16xf32>,
    %get3A_263 = vector.shape_cast %get3A_262 : vector<16xf32> to vector<16xf32>
    %neg3A_264 = arith.constant 0.000000e+00 : f32
    %neg3A_265 = vector.broadcast %neg3A_264 : f32 to vector<16xf32>
    %neg3A_266 = arith.subf %neg3A_265, %get3A_263 : vector<16xf32>
    %exp3A_267 = math.exp %neg3A_266 : vector<16xf32>
    %add3A_268 = arith.addf %broadcast_in_dim3A_5, %exp3A_267 : vector<16xf32>
    %div3A_269 = arith.divf %broadcast_in_dim3A_5, %add3A_268 : vector<16xf32>
    %swap3A_270 = arith.constant 320 : index
    %swap3A_271 = tpu.vector_load %arg6[%swap3A_270] {strides = array<i32>} : memref<512xf32, #tpu.memory_space<vmem>>, vector<16xf32>,
    %swap3A_272 = vector.shape_cast %swap3A_271 : vector<16xf32> to vector<16xf32>
    %swap3A_273 = vector.shape_cast %div3A_269 : vector<16xf32> to vector<16xf32>
    tpu.vector_store %arg6[%swap3A_270], %swap3A_273 {strides = array<i32>} : memref<512xf32, #tpu.memory_space<vmem>>, vector<16xf32>,
    %get3A_274 = arith.constant 336 : index
    %get3A_275 = tpu.vector_load %arg6[%get3A_274] {strides = array<i32>} : memref<512xf32, #tpu.memory_space<vmem>>, vector<16xf32>,
    %get3A_276 = vector.shape_cast %get3A_275 : vector<16xf32> to vector<16xf32>
    %neg3A_277 = arith.constant 0.000000e+00 : f32
    %neg3A_278 = vector.broadcast %neg3A_277 : f32 to vector<16xf32>
    %neg3A_279 = arith.subf %neg3A_278, %get3A_276 : vector<16xf32>
    %exp3A_280 = math.exp %neg3A_279 : vector<16xf32>
    %add3A_281 = arith.addf %broadcast_in_dim3A_5, %exp3A_280 : vector<16xf32>
    %div3A_282 = arith.divf %broadcast_in_dim3A_5, %add3A_281 : vector<16xf32>
    %swap3A_283 = arith.constant 336 : index
    %swap3A_284 = tpu.vector_load %arg6[%swap3A_283] {strides = array<i32>} : memref<512xf32, #tpu.memory_space<vmem>>, vector<16xf32>,
    %swap3A_285 = vector.shape_cast %swap3A_284 : vector<16xf32> to vector<16xf32>
    %swap3A_286 = vector.shape_cast %div3A_282 : vector<16xf32> to vector<16xf32>
    tpu.vector_store %arg6[%swap3A_283], %swap3A_286 {strides = array<i32>} : memref<512xf32, #tpu.memory_space<vmem>>, vector<16xf32>,
    %get3A_287 = arith.constant 352 : index
    %get3A_288 = tpu.vector_load %arg6[%get3A_287] {strides = array<i32>} : memref<512xf32, #tpu.memory_space<vmem>>, vector<16xf32>,
    %get3A_289 = vector.shape_cast %get3A_288 : vector<16xf32> to vector<16xf32>
    %neg3A_290 = arith.constant 0.000000e+00 : f32
    %neg3A_291 = vector.broadcast %neg3A_290 : f32 to vector<16xf32>
    %neg3A_292 = arith.subf %neg3A_291, %get3A_289 : vector<16xf32>
    %exp3A_293 = math.exp %neg3A_292 : vector<16xf32>
    %add3A_294 = arith.addf %broadcast_in_dim3A_5, %exp3A_293 : vector<16xf32>
    %div3A_295 = arith.divf %broadcast_in_dim3A_5, %add3A_294 : vector<16xf32>
    %swap3A_296 = arith.constant 352 : index
    %swap3A_297 = tpu.vector_load %arg6[%swap3A_296] {strides = array<i32>} : memref<512xf32, #tpu.memory_space<vmem>>, vector<16xf32>,
    %swap3A_298 = vector.shape_cast %swap3A_297 : vector<16xf32> to vector<16xf32>
    %swap3A_299 = vector.shape_cast %div3A_295 : vector<16xf32> to vector<16xf32>
    tpu.vector_store %arg6[%swap3A_296], %swap3A_299 {strides = array<i32>} : memref<512xf32, #tpu.memory_space<vmem>>, vector<16xf32>,
    %get3A_300 = arith.constant 368 : index
    %get3A_301 = tpu.vector_load %arg6[%get3A_300] {strides = array<i32>} : memref<512xf32, #tpu.memory_space<vmem>>, vector<16xf32>,
    %get3A_302 = vector.shape_cast %get3A_301 : vector<16xf32> to vector<16xf32>
    %neg3A_303 = arith.constant 0.000000e+00 : f32
    %neg3A_304 = vector.broadcast %neg3A_303 : f32 to vector<16xf32>
    %neg3A_305 = arith.subf %neg3A_304, %get3A_302 : vector<16xf32>
    %exp3A_306 = math.exp %neg3A_305 : vector<16xf32>
    %add3A_307 = arith.addf %broadcast_in_dim3A_5, %exp3A_306 : vector<16xf32>
    %div3A_308 = arith.divf %broadcast_in_dim3A_5, %add3A_307 : vector<16xf32>
    %swap3A_309 = arith.constant 368 : index
    %swap3A_310 = tpu.vector_load %arg6[%swap3A_309] {strides = array<i32>} : memref<512xf32, #tpu.memory_space<vmem>>, vector<16xf32>,
    %swap3A_311 = vector.shape_cast %swap3A_310 : vector<16xf32> to vector<16xf32>
    %swap3A_312 = vector.shape_cast %div3A_308 : vector<16xf32> to vector<16xf32>
    tpu.vector_store %arg6[%swap3A_309], %swap3A_312 {strides = array<i32>} : memref<512xf32, #tpu.memory_space<vmem>>, vector<16xf32>,
    %get3A_313 = arith.constant 384 : index
    %get3A_314 = tpu.vector_load %arg6[%get3A_313] {strides = array<i32>} : memref<512xf32, #tpu.memory_space<vmem>>, vector<16xf32>,
    %get3A_315 = vector.shape_cast %get3A_314 : vector<16xf32> to vector<16xf32>
    %neg3A_316 = arith.constant 0.000000e+00 : f32
    %neg3A_317 = vector.broadcast %neg3A_316 : f32 to vector<16xf32>
    %neg3A_318 = arith.subf %neg3A_317, %get3A_315 : vector<16xf32>
    %exp3A_319 = math.exp %neg3A_318 : vector<16xf32>
    %add3A_320 = arith.addf %broadcast_in_dim3A_5, %exp3A_319 : vector<16xf32>
    %div3A_321 = arith.divf %broadcast_in_dim3A_5, %add3A_320 : vector<16xf32>
    %swap3A_322 = arith.constant 384 : index
    %swap3A_323 = tpu.vector_load %arg6[%swap3A_322] {strides = array<i32>} : memref<512xf32, #tpu.memory_space<vmem>>, vector<16xf32>,
    %swap3A_324 = vector.shape_cast %swap3A_323 : vector<16xf32> to vector<16xf32>
    %swap3A_325 = vector.shape_cast %div3A_321 : vector<16xf32> to vector<16xf32>
    tpu.vector_store %arg6[%swap3A_322], %swap3A_325 {strides = array<i32>} : memref<512xf32, #tpu.memory_space<vmem>>, vector<16xf32>,
    %get3A_326 = arith.constant 400 : index
    %get3A_327 = tpu.vector_load %arg6[%get3A_326] {strides = array<i32>} : memref<512xf32, #tpu.memory_space<vmem>>, vector<16xf32>,
    %get3A_328 = vector.shape_cast %get3A_327 : vector<16xf32> to vector<16xf32>
    %neg3A_329 = arith.constant 0.000000e+00 : f32
    %neg3A_330 = vector.broadcast %neg3A_329 : f32 to vector<16xf32>
    %neg3A_331 = arith.subf %neg3A_330, %get3A_328 : vector<16xf32>
    %exp3A_332 = math.exp %neg3A_331 : vector<16xf32>
    %add3A_333 = arith.addf %broadcast_in_dim3A_5, %exp3A_332 : vector<16xf32>
    %div3A_334 = arith.divf %broadcast_in_dim3A_5, %add3A_333 : vector<16xf32>
    %swap3A_335 = arith.constant 400 : index
    %swap3A_336 = tpu.vector_load %arg6[%swap3A_335] {strides = array<i32>} : memref<512xf32, #tpu.memory_space<vmem>>, vector<16xf32>,
    %swap3A_337 = vector.shape_cast %swap3A_336 : vector<16xf32> to vector<16xf32>
    %swap3A_338 = vector.shape_cast %div3A_334 : vector<16xf32> to vector<16xf32>
    tpu.vector_store %arg6[%swap3A_335], %swap3A_338 {strides = array<i32>} : memref<512xf32, #tpu.memory_space<vmem>>, vector<16xf32>,
    %get3A_339 = arith.constant 416 : index
    %get3A_340 = tpu.vector_load %arg6[%get3A_339] {strides = array<i32>} : memref<512xf32, #tpu.memory_space<vmem>>, vector<16xf32>,
    %get3A_341 = vector.shape_cast %get3A_340 : vector<16xf32> to vector<16xf32>
    %neg3A_342 = arith.constant 0.000000e+00 : f32
    %neg3A_343 = vector.broadcast %neg3A_342 : f32 to vector<16xf32>
    %neg3A_344 = arith.subf %neg3A_343, %get3A_341 : vector<16xf32>
    %exp3A_345 = math.exp %neg3A_344 : vector<16xf32>
    %add3A_346 = arith.addf %broadcast_in_dim3A_5, %exp3A_345 : vector<16xf32>
    %div3A_347 = arith.divf %broadcast_in_dim3A_5, %add3A_346 : vector<16xf32>
    %swap3A_348 = arith.constant 416 : index
    %swap3A_349 = tpu.vector_load %arg6[%swap3A_348] {strides = array<i32>} : memref<512xf32, #tpu.memory_space<vmem>>, vector<16xf32>,
    %swap3A_350 = vector.shape_cast %swap3A_349 : vector<16xf32> to vector<16xf32>
    %swap3A_351 = vector.shape_cast %div3A_347 : vector<16xf32> to vector<16xf32>
    tpu.vector_store %arg6[%swap3A_348], %swap3A_351 {strides = array<i32>} : memref<512xf32, #tpu.memory_space<vmem>>, vector<16xf32>,
    %get3A_352 = arith.constant 432 : index
    %get3A_353 = tpu.vector_load %arg6[%get3A_352] {strides = array<i32>} : memref<512xf32, #tpu.memory_space<vmem>>, vector<16xf32>,
    %get3A_354 = vector.shape_cast %get3A_353 : vector<16xf32> to vector<16xf32>
    %neg3A_355 = arith.constant 0.000000e+00 : f32
    %neg3A_356 = vector.broadcast %neg3A_355 : f32 to vector<16xf32>
    %neg3A_357 = arith.subf %neg3A_356, %get3A_354 : vector<16xf32>
    %exp3A_358 = math.exp %neg3A_357 : vector<16xf32>
    %add3A_359 = arith.addf %broadcast_in_dim3A_5, %exp3A_358 : vector<16xf32>
    %div3A_360 = arith.divf %broadcast_in_dim3A_5, %add3A_359 : vector<16xf32>
    %swap3A_361 = arith.constant 432 : index
    %swap3A_362 = tpu.vector_load %arg6[%swap3A_361] {strides = array<i32>} : memref<512xf32, #tpu.memory_space<vmem>>, vector<16xf32>,
    %swap3A_363 = vector.shape_cast %swap3A_362 : vector<16xf32> to vector<16xf32>
    %swap3A_364 = vector.shape_cast %div3A_360 : vector<16xf32> to vector<16xf32>
    tpu.vector_store %arg6[%swap3A_361], %swap3A_364 {strides = array<i32>} : memref<512xf32, #tpu.memory_space<vmem>>, vector<16xf32>,
    %get3A_365 = arith.constant 448 : index
    %get3A_366 = tpu.vector_load %arg6[%get3A_365] {strides = array<i32>} : memref<512xf32, #tpu.memory_space<vmem>>, vector<16xf32>,
    %get3A_367 = vector.shape_cast %get3A_366 : vector<16xf32> to vector<16xf32>
    %neg3A_368 = arith.constant 0.000000e+00 : f32
    %neg3A_369 = vector.broadcast %neg3A_368 : f32 to vector<16xf32>
    %neg3A_370 = arith.subf %neg3A_369, %get3A_367 : vector<16xf32>
    %exp3A_371 = math.exp %neg3A_370 : vector<16xf32>
    %add3A_372 = arith.addf %broadcast_in_dim3A_5, %exp3A_371 : vector<16xf32>
    %div3A_373 = arith.divf %broadcast_in_dim3A_5, %add3A_372 : vector<16xf32>
    %swap3A_374 = arith.constant 448 : index
    %swap3A_375 = tpu.vector_load %arg6[%swap3A_374] {strides = array<i32>} : memref<512xf32, #tpu.memory_space<vmem>>, vector<16xf32>,
    %swap3A_376 = vector.shape_cast %swap3A_375 : vector<16xf32> to vector<16xf32>
    %swap3A_377 = vector.shape_cast %div3A_373 : vector<16xf32> to vector<16xf32>
    tpu.vector_store %arg6[%swap3A_374], %swap3A_377 {strides = array<i32>} : memref<512xf32, #tpu.memory_space<vmem>>, vector<16xf32>,
    %get3A_378 = arith.constant 464 : index
    %get3A_379 = tpu.vector_load %arg6[%get3A_378] {strides = array<i32>} : memref<512xf32, #tpu.memory_space<vmem>>, vector<16xf32>,
    %get3A_380 = vector.shape_cast %get3A_379 : vector<16xf32> to vector<16xf32>
    %neg3A_381 = arith.constant 0.000000e+00 : f32
    %neg3A_382 = vector.broadcast %neg3A_381 : f32 to vector<16xf32>
    %neg3A_383 = arith.subf %neg3A_382, %get3A_380 : vector<16xf32>
    %exp3A_384 = math.exp %neg3A_383 : vector<16xf32>
    %add3A_385 = arith.addf %broadcast_in_dim3A_5, %exp3A_384 : vector<16xf32>
    %div3A_386 = arith.divf %broadcast_in_dim3A_5, %add3A_385 : vector<16xf32>
    %swap3A_387 = arith.constant 464 : index
    %swap3A_388 = tpu.vector_load %arg6[%swap3A_387] {strides = array<i32>} : memref<512xf32, #tpu.memory_space<vmem>>, vector<16xf32>,
    %swap3A_389 = vector.shape_cast %swap3A_388 : vector<16xf32> to vector<16xf32>
    %swap3A_390 = vector.shape_cast %div3A_386 : vector<16xf32> to vector<16xf32>
    tpu.vector_store %arg6[%swap3A_387], %swap3A_390 {strides = array<i32>} : memref<512xf32, #tpu.memory_space<vmem>>, vector<16xf32>,
    %get3A_391 = arith.constant 480 : index
    %get3A_392 = tpu.vector_load %arg6[%get3A_391] {strides = array<i32>} : memref<512xf32, #tpu.memory_space<vmem>>, vector<16xf32>,
    %get3A_393 = vector.shape_cast %get3A_392 : vector<16xf32> to vector<16xf32>
    %neg3A_394 = arith.constant 0.000000e+00 : f32
    %neg3A_395 = vector.broadcast %neg3A_394 : f32 to vector<16xf32>
    %neg3A_396 = arith.subf %neg3A_395, %get3A_393 : vector<16xf32>
    %exp3A_397 = math.exp %neg3A_396 : vector<16xf32>
    %add3A_398 = arith.addf %broadcast_in_dim3A_5, %exp3A_397 : vector<16xf32>
    %div3A_399 = arith.divf %broadcast_in_dim3A_5, %add3A_398 : vector<16xf32>
    %swap3A_400 = arith.constant 480 : index
    %swap3A_401 = tpu.vector_load %arg6[%swap3A_400] {strides = array<i32>} : memref<512xf32, #tpu.memory_space<vmem>>, vector<16xf32>,
    %swap3A_402 = vector.shape_cast %swap3A_401 : vector<16xf32> to vector<16xf32>
    %swap3A_403 = vector.shape_cast %div3A_399 : vector<16xf32> to vector<16xf32>
    tpu.vector_store %arg6[%swap3A_400], %swap3A_403 {strides = array<i32>} : memref<512xf32, #tpu.memory_space<vmem>>, vector<16xf32>,
    %get3A_404 = arith.constant 496 : index
    %get3A_405 = tpu.vector_load %arg6[%get3A_404] {strides = array<i32>} : memref<512xf32, #tpu.memory_space<vmem>>, vector<16xf32>,
    %get3A_406 = vector.shape_cast %get3A_405 : vector<16xf32> to vector<16xf32>
    %neg3A_407 = arith.constant 0.000000e+00 : f32
    %neg3A_408 = vector.broadcast %neg3A_407 : f32 to vector<16xf32>
    %neg3A_409 = arith.subf %neg3A_408, %get3A_406 : vector<16xf32>
    %exp3A_410 = math.exp %neg3A_409 : vector<16xf32>
    %add3A_411 = arith.addf %broadcast_in_dim3A_5, %exp3A_410 : vector<16xf32>
    %div3A_412 = arith.divf %broadcast_in_dim3A_5, %add3A_411 : vector<16xf32>
    %swap3A_413 = arith.constant 496 : index
    %swap3A_414 = tpu.vector_load %arg6[%swap3A_413] {strides = array<i32>} : memref<512xf32, #tpu.memory_space<vmem>>, vector<16xf32>,
    %swap3A_415 = vector.shape_cast %swap3A_414 : vector<16xf32> to vector<16xf32>
    %swap3A_416 = vector.shape_cast %div3A_412 : vector<16xf32> to vector<16xf32>
    tpu.vector_store %arg6[%swap3A_413], %swap3A_416 {strides = array<i32>} : memref<512xf32, #tpu.memory_space<vmem>>, vector<16xf32>,
    "tpu.region"() ({
      %run_scoped3A = tpu.sem_alloc : memref<!tpu.dma_semaphore, #tpu.memory_space<semaphore_mem>>
      %dma_start3A_417 = tpu.memref_slice %arg4[%mul3A_2] : memref<16384xf32, #tpu.memory_space<hbm>> -> memref<512xf32, #tpu.memory_space<hbm>>
      %dma_start3A_418 = tpu.memref_slice %arg4[%mul3A_2] : memref<16384xf32, #tpu.memory_space<hbm>> -> memref<512xf32, #tpu.memory_space<hbm>>
      tpu.enqueue_dma source(%arg6 : memref<512xf32, #tpu.memory_space<vmem>>) target(%dma_start3A_418 : memref<512xf32, #tpu.memory_space<hbm>>) target_semaphore(%run_scoped3A : memref<!tpu.dma_semaphore, #tpu.memory_space<semaphore_mem>>)
      %dma_wait3A_419 = tpu.memref_slice %arg4[%mul3A_2] : memref<16384xf32, #tpu.memory_space<hbm>> -> memref<512xf32, #tpu.memory_space<hbm>>
      %dma_wait3A_420 = tpu.memref_slice %arg4[%mul3A_2] : memref<16384xf32, #tpu.memory_space<hbm>> -> memref<512xf32, #tpu.memory_space<hbm>>
      tpu.wait_dma2 semaphore(%run_scoped3A : memref<!tpu.dma_semaphore, #tpu.memory_space<semaphore_mem>>) src(%arg6 : memref<512xf32, #tpu.memory_space<vmem>>) dst(%dma_wait3A_420 : memref<512xf32, #tpu.memory_space<hbm>>)
      tpu.yield
    }) : () -> ()
    return
  }
}

</mosaic_0001>

<sc_bundles>
// kernel: kernel.3.cloned.1.call-start
scs
__scs_entry_jumppad:
0x0: {  	(pc) =	sbr.rel $0x88, $3  }
0x1: {  	(tag) =	ssettag $0x0;
	lr =	simm.s32 $0x1  }
0x2: {  	[smem:$0x3F9F] =	sst lr;
	_ =	strace $0xD0000000  }
0x3: {  	_ = 	snop  }
0x4: {  	_ = 	snop  }
0x5: {  	_ = 	snop  }
0x6: {  	_ = 	snop  }
0x7: {  	_ = 	snop  }
__scs_overlays_trampoline_lowered:
0x8: {  	[smem:$0x3FAE] =	sst s0  }
0x9: {  	[smem:$0x3FAF] =	sst s1  }
0xa: {  	[smem:$0x3FB0] =	sst s2  }
0xb: {  	[smem:$0x3FB1] =	sst s3  }
0xc: {  	[smem:$0x3FB2] =	sst s4  }
0xd: {  	[smem:$0x3FB3] =	sst s5  }
0xe: {  	[smem:$0x3FB4] =	sst s6  }
0xf: {  	[smem:$0x3FB5] =	sst s7  }
0x10: {  	[smem:$0x3FB6] =	sst s8  }
0x11: {  	[smem:$0x3FB7] =	sst s9;
	s0 =	simm.s32 @!p0 $0x0  }
0x12: {  	s1 =	sld [smem:$0x3F9D];
	s0 =	simm.s32 @p0 $0x1  }
0x13: {  	[smem:$0x3FB8] =	sst s0;
	s0 =	simm.s32 @!p1 $0x0  }
0x14: {  	s2 =	sld [smem:$0x3F9C];
	s0 =	simm.s32 @p1 $0x1  }
0x15: {  	[smem:$0x3FB9] =	sst s0;
	s0 =	simm.s32 @!p2 $0x0  }
0x16: {  	s3 =	sld [smem:$0x3FDB];
	s0 =	simm.s32 @p2 $0x1  }
0x17: {  	s4 =	simm.s32 $0x1BF5;
	[smem:$0x3FBB] =	sst s0  }
0x18: {  	s0 =	sld [smem:$0x3F9E];
	_ =	swait.ge [sflag:s4], $0x0  }
0x19: {  	s7 =	sld [smem:$0x3F9F]  }
0x1a: {  	s8 =	sadd.s32 $0xFFFFE003, lr  }
0x1b: {  	s9 =	sadd.s32 $0xFFFFFEF7, lr;
	s5 =	simm.s32 $0xFFFFFFFF;
	p2 =	slt.u32 s8, $0xFFFFF086  }
0x1c: {  	p1 =	slt.u32 s9, $0xF7A;
	s5 =	simm.s32 @!p2 $0x0  }
0x1d: {  	s5 =	simm.s32 @p1 $0x1;
	p0 =	seq.s32 s7, s2  }
0x1e: {  	s7 =	smul.u32 @!p0 $0xF7A, s2;
	p2 =	seq.s32 @!p0 s5, $0x0  }
0x1f: {  	s9 =	smul.u32 $0xF7A, s1;
	s8 =	simm.s32 @!p0 $0x1BF5;
	p2 =	por !p2, p0  }
0x20: {  	[sflag:s8] =	ssyncset.s32 @!p0 $0xFFFFF086;
	s6 =	sadd.s32 @!p0 s3, s7;
	s7 =	simm.s32 @!p0 $0x108  }
0x21: {  	s3 =	sadd.s32 s3, s9;
	s6 =	sadd.s32 @!p0 $0x88, s6;
	s7 =	simm.s32 @p2 $0x1082  }
0x22: {  	[simem:s7], [sflag:s8] =	dma.local @!p0 [hbm:s6], $0xF7A  }
0x23: {  	s9 =	sor.u32 $0xD0000000, s2;
	s6 =	simm.s32 $0x108;
	_ =	swait.ge @!p0 [sflag:s8], $0x0  }
0x24: {  	s3 =	sadd.s32 $0x88, s3;
	s6 =	simm.s32 @!p1 $0x1082;
	[sflag:s4] =	ssyncset.s32 $0xFFFFF086  }
0x25: {  	[simem:s6], [sflag:s4] =	dma.local [hbm:s3], $0xF7A  }
0x26: {  	[smem:$0x3F9F] =	sst s1;
	(tag) =	ssettag s2;
	_ =	strace s9  }
0x27: {  	s1 =	sld [smem:$0x3FAF]  }
0x28: {  	s2 =	sld [smem:$0x3FB0]  }
0x29: {  	s4 =	sld [smem:$0x3FB2]  }
0x2a: {  	p0 =	seq.s32 s5, $0x0;
	s5 =	sld [smem:$0x3FB3]  }
0x2b: {  	s6 =	sld [smem:$0x3FB4]  }
0x2c: {  	s7 =	sld [smem:$0x3FB5]  }
0x2d: {  	s3 =	simm.s32 $0x108;
	s8 =	sld [smem:$0x3FB6]  }
0x2e: {  	s3 =	simm.s32 @!p0 $0x1082;
	s9 =	sld [smem:$0x3FB7]  }
0x2f: {  	lr =	sadd.s32 s0, s3;
	s0 =	sld [smem:$0x3FAE]  }
0x30: {  	s3 =	sld [smem:$0x3FB1]  }
0x31: {  	[smem:$0x3FBA] =	sst s10  }
0x32: {  	s10 =	sld [smem:$0x3FB8];
	_ =	sdelay $0x3  }
0x33: {  	p0 =	seq.s32 s10, $0x1;
	s10 =	sld [smem:$0x3FBA];
	_ =	sdelay $0x3  }
0x34: {  	[smem:$0x3FBA] =	sst s10  }
0x35: {  	s10 =	sld [smem:$0x3FB9];
	_ =	sdelay $0x3  }
0x36: {  	p1 =	seq.s32 s10, $0x1;
	s10 =	sld [smem:$0x3FBA];
	_ =	sdelay $0x3  }
0x37: {  	[smem:$0x3FBA] =	sst s10  }
0x38: {  	s10 =	sld [smem:$0x3FBB]  }
0x39: {  	_ = 	snop;
	(pc) =	sbr.ind lr, $3  }
0x3a: {  	_ = 	snop  }
0x3b: {  	_ = 	snop  }
0x3c: {  	p2 =	seq.s32 s10, $0x1;
	s10 =	sld [smem:$0x3FBA]  }
0x3d: {  	_ =	shalt  }
0x3e: {  	_ =	shalt  }
0x3f: {  	_ =	shalt  }
0x40: {  	_ =	shalt  }
0x41: {  	_ =	shalt  }
0x42: {  	_ =	shalt  }
0x43: {  	_ =	shalt  }
0x44: {  	_ =	shalt  }
0x45: {  	_ =	shalt  }
0x46: {  	_ =	shalt  }
0x47: {  	_ =	shalt  }
0x48: {  	_ =	shalt  }
0x49: {  	_ =	shalt  }
0x4a: {  	_ =	shalt  }
0x4b: {  	_ =	shalt  }
0x4c: {  	_ =	shalt  }
0x4d: {  	_ =	shalt  }
0x4e: {  	_ =	shalt  }
0x4f: {  	_ =	shalt  }
0x50: {  	_ =	shalt  }
0x51: {  	_ =	shalt  }
0x52: {  	_ =	shalt  }
0x53: {  	_ =	shalt  }
0x54: {  	_ =	shalt  }
0x55: {  	_ =	shalt  }
0x56: {  	_ =	shalt  }
0x57: {  	_ =	shalt  }
0x58: {  	_ =	shalt  }
0x59: {  	_ =	shalt  }
0x5a: {  	_ =	shalt  }
0x5b: {  	_ =	shalt  }
0x5c: {  	_ =	shalt  }
0x5d: {  	_ =	shalt  }
0x5e: {  	_ =	shalt  }
0x5f: {  	_ =	shalt  }
0x60: {  	_ =	shalt  }
0x61: {  	_ =	shalt  }
0x62: {  	_ =	shalt  }
0x63: {  	_ =	shalt  }
0x64: {  	_ =	shalt  }
0x65: {  	_ =	shalt  }
0x66: {  	_ =	shalt  }
0x67: {  	_ =	shalt  }
0x68: {  	_ =	shalt  }
0x69: {  	_ =	shalt  }
0x6a: {  	_ =	shalt  }
0x6b: {  	_ =	shalt  }
0x6c: {  	_ =	shalt  }
0x6d: {  	_ =	shalt  }
0x6e: {  	_ =	shalt  }
0x6f: {  	_ =	shalt  }
0x70: {  	_ =	shalt  }
0x71: {  	_ =	shalt  }
0x72: {  	_ =	shalt  }
0x73: {  	_ =	shalt  }
0x74: {  	_ =	shalt  }
0x75: {  	_ =	shalt  }
0x76: {  	_ =	shalt  }
0x77: {  	_ =	shalt  }
0x78: {  	_ =	shalt  }
0x79: {  	_ =	shalt  }
0x7a: {  	_ =	shalt  }
0x7b: {  	_ =	shalt  }
0x7c: {  	_ =	shalt  }
0x7d: {  	_ =	shalt  }
0x7e: {  	_ =	shalt  }
0x7f: {  	_ =	shalt  }
0x80: {  	_ =	shalt  }
0x81: {  	_ =	shalt  }
0x82: {  	_ =	shalt  }
0x83: {  	_ =	shalt  }
0x84: {  	_ =	shalt  }
0x85: {  	_ =	shalt  }
0x86: {  	_ =	shalt  }
0x87: {  	_ =	shalt  }
.Lfunc_end0:
.L_simem_size_0:
called_computation_lowered:
.L_overlay_start_0:
0x88: {  	s2 =	sld [smem:$0x3FD9]  }
0x89: {  	s3 =	sld [smem:$0x3FFE];
	_ =	sdelay $0x1  }
0x8a: {  	s1 =	srdreg.scid  }
0x8b: {  	s0 =	sand.u32 $0x1, s1  }
0x8c: {  	s18 =	sshll.u32 s0, $0xA;
	s2 =	sadd.s32 s3, s2  }
0x8d: {  	s2 =	sadd.s32 s2, s18  }
0x8e: {  	[smem:$0x3FC6] =	sst s2  }
0x8f: {  	_ = 	snop  }
0x90: {  	s2 =	sld [smem:$0x3FC9]  }
0x91: {  	s19 =	sld [smem:$0x3FC8]  }
0x92: {  	s4 =	sld [smem:$0x3FD0];
	(tm) =	ssettm $0x1  }
0x93: {  	s5 =	sld [smem:$0x3FFB];
	_ =	sdelay $0x3  }
0x94: {  	_ =	strace s5  }
0x95: {  	s5 =	sld [smem:$0x3FFC];
	_ =	sdelay $0x3  }
0x96: {  	_ =	strace s5  }
0x97: {  	s5 =	sld [smem:$0x3FFD];
	_ =	sdelay $0x3  }
0x98: {  	_ =	strace s5  }
0x99: {  	_ =	strace $0x8FFFFFFF  }
0x9a: {  	s20 =	sld [smem:$0x3FDB];
	_ =	sdelay $0x1  }
0x9b: {  	s6 =	simm.s32 $_scs_section_size  }
0x9c: {  	s7 =	simm.s32 $_size__tile_overlayer_lowered;
	s8 =	simm.s32 $_tile_overlayer_lowered  }
0x9d: {  	s23 =	simm.s32 $0x1BFF;
	s22 =	sshll.u32 s8, $0x1;
	s5 =	sadd.s32 s6, s20  }
0x9e: {  	s9 =	simm.s32 $0x0;
	s21 =	sshll.u32 s7, $0x1;
	s7 =	sadd.s32 s22, s5  }
0x9f: {  	[timem:s9], [sflag:s23] =	dma.local [hbm:s7], s21  }
0xa0: {  	_ =	swait.ge [sflag:s23], s21  }
0xa1: {  	s6 =	ssub.s32 $0x0, s21;
	[sflag:s23] =	ssyncset.done $0x0  }
0xa2: {  	[sflag:s23] =	ssyncadd.s32 s6;
	_ =	sdelay $0x1  }
0xa3: {  	s24 =	simm.s32 $0x1B8B  }
0xa4: {  	_ =	swait.ge [sflag:s24], $0x1  }
0xa5: {  	[sflag:s24] =	ssyncset.done $0x0  }
0xa6: {  	s25 =	simm.s32 $0x1B8E;
	[sflag:s24] =	ssyncadd.s32 $0xFFFFFFFF  }
0xa7: {  	s26 =	simm.s32 $execute0_lowered;
	[smem:$0x3FD2] =	sst s25  }
0xa8: {  	s6 =	sshll.u32 s26, $0x1;
	_ =	strace $0x80000046;
	[dreg:$0x1] =	wrdreg $0xFFFFFFFF  }
0xa9: {  	s28 =	simm.s32 $_size_execute0_lowered;
	s5 =	sadd.s32 s5, s6;
	[dreg:$0x0] =	wrdreg $0x0  }
0xaa: {  	s6 =	sshll.u32 s28, $0x1;
	[dreg:$0x2] =	wrdreg s5  }
0xab: {  	[dreg:$0x3] =	wrdreg s6  }
0xac: {  	[dreg:$0x4] =	wrdreg $0xC0  }
0xad: {  	_ =	task [dreg:s9], $0x5FFFF  }
0xae: {  	[dreg:$0x1] =	wrdreg $0xFFFFFFFF  }
0xaf: {  	[dreg:$0x0] =	wrdreg $0x60  }
0xb0: {  	[dreg:$0x2] =	wrdreg s2  }
0xb1: {  	[dreg:$0x3] =	wrdreg s19  }
0xb2: {  	[dreg:$0x4] =	wrdreg s4  }
0xb3: {  	[dreg:$0x5] =	wrdreg $0x9  }
0xb4: {  	_ =	task.clear_ibuf [dreg:s9], $0x6FFFF;
	_ =	strace $0x90000046  }
0xb5: {  	s29 =	simm.s32 $0x9;
	_ =	strace $0x80000048  }
0xb6: {  	_ =	swait.ge [sflag:s29], $0x1  }
0xb7: {  	[sflag:s29] =	ssyncadd.s32 $0xFFFFFFFF  }
0xb8: {  	_ =	strace $0x90000048  }
0xb9: {  	_ =	sfence  }
0xba: {  	s30 =	sld [smem:$0x0];
	_ =	sdelay $0x2  }
0xbb: {  	s31 =	sshll.u32 s1, $0xD;
	s1 =	sshrl.u32 s1, $0x2  }
0xbc: {  	s3 =	sand.u32 $0x4000, s31;
	s1 =	sadd.s32 s1, s30  }
0xbd: {  	s0 =	sor.u32 s3, s0;
	s1 =	sshll.u32 s1, $0x11  }
0xbe: {  	s0 =	sor.u32 s1, s0  }
0xbf: {  	s0 =	sadd.s32 $0x8F2B, s0  }
0xc0: {  	[sflag:s0] =	ssyncadd.remote.s32 $0x1  }
0xc1: {  	_ =	sfence.sel $0xFFFF  }
0xc2: {  	[dreg:$0x0] =	wrdreg $0xFFFFFFFF;
	(pc) =	sbr.abs _section_cstart, $3  }
0xc3: {  	[dreg:$0x1] =	wrdreg $0xFFFFFFFF  }
0xc4: {  	_ =	task.clear_ibuf [dreg:s9], $0x2FFFF;
	_ =	strace $0x9FFFFFFF  }
0xc5: {  	(tm) =	ssettm $0x7FFFFFFF  }
tec
execute0_lowered:
.L_overlay_start_1:
0x0: {  	(tag) =	ssettag $0x1  }
0x1: {  	s3 =	rddreg [dreg:$0x0]  }
0x2: {  	s6 =	rddreg [dreg:$0x1]  }
0x3: {  	s5 =	rddreg [dreg:$0x2];
	s2 =	srdreg.scid  }
0x4: {  	s0 =	rddreg [dreg:$0x3];
	s1 =	stileid.u32;
	s10 =	sand.u32 $0x1, s2  }
0x5: {  	s2 =	simm.s32 $0x0;
	s4 =	sshll.u32 s1, $0x7;
	s7 =	sshll.u32 s10, $0x6  }
0x6: {  	[smem:$0x7FF] =	sst s2;
	s9 =	sor.u32 s7, s4  }
0x7: {  	_ =	strace $0x80000047;
	s7 =	sadd.s32 s3, s9;
	s3 =	simm.s32 $0x2  }
0x8: {  	[tilespmem:s2], [sflag:$0x2] =	stream.linear.gather [hbm4b:s7+s2], $0x200, $0x38;
	[tilespmem:$0x400] =	vst v63  }
0x9: {  	_ =	swait.ge [sflag:s3], $0x200  }
0xa: {  	[sflag:s3] =	ssyncset.done $0x0  }
0xb: {  	s8 =	simm.s32 $0x1;
	s4 =	simm.s32 $0x200;
	[sflag:s3] =	ssyncadd.s32 $0xFFFFFE00  }
0xc: {  	[tilespmem:s4], [sflag:$0x1] =	stream.indirect.gather [hbm4b:s6+s4], $0x1, s2, s4, $0xb8;
	[tilespmem:$0x400] =	vst v63  }
0xd: {  	_ =	swait.ge [sflag:s8], $0x200  }
0xe: {  	[sflag:s8] =	ssyncset.done $0x0  }
0xf: {  	[sflag:s8] =	ssyncadd.s32 $0xFFFFFE00  }
0x10: {  	v0 =	vld [tilespmem:$0x3F0]  }
0x11: {  	v1 =	vld [tilespmem:$0x370]  }
0x12: {  	v2 =	vld [tilespmem:$0x300]  }
0x13: {  	v4 =	vld [tilespmem:$0x250]  }
0x14: {  	v6 =	vld [tilespmem:$0x220]  }
0x15: {  	v7 =	vld [tilespmem:$0x210];
	v0 =	vsub.f32 $0.0e+00, v0  }
0x16: {  	v8 =	vld [tilespmem:$0x200];
	v1 =	vsub.f32 $0.0e+00, v1  }
0x17: {  	v5 =	vld [tilespmem:$0x240];
	v2 =	vsub.f32 $0.0e+00, v2;
	v0 =	vmul.f32 $1.442695020e+00, v0  }
0x18: {  	v9 =	vld [tilespmem:$0x3E0];
	v1 =	vmul.f32 $1.442695020e+00, v1  }
0x19: {  	(erf) = vpow2.f32 v0;
	v0 =	vmul.f32 $1.442695020e+00, v2;
	v2 =	vld [tilespmem:$0x270]  }
0x1a: {  	v3 =	vld [tilespmem:$0x260];
	v10 =	vsub.f32 $0.0e+00, v7  }
0x1b: {  	v7 =	vsub.f32 $0.0e+00, v8;
	(erf) = vpow2.f32 v1;
	v1 =	vsub.f32 $0.0e+00, v6;
	v6 =	vld [tilespmem:$0x280]  }
0x1c: {  	v4 =	vsub.f32 $0.0e+00, v4;
	v8 =	vld [tilespmem:$0x2A0];
	(erf) = vpow2.f32 v0;
	v0 =	vsub.f32 $0.0e+00, v5  }
0x1d: {  	v11 =	vld [tilespmem:$0x2B0];
	v9 =	vsub.f32 $0.0e+00, v9;
	v7 =	vmul.f32 $1.442695020e+00, v7  }
0x1e: {  	v4 =	vmul.f32 $1.442695020e+00, v4;
	v5 =	vld [tilespmem:$0x290];
	v0 =	vmul.f32 $1.442695020e+00, v0;
	v2 =	vsub.f32 $0.0e+00, v2  }
0x1f: {  	v12 =	vld [tilespmem:$0x2C0];
	v3 =	vsub.f32 $0.0e+00, v3;
	v9 =	vmul.f32 $1.442695020e+00, v9;
	v1 =	vmul.f32 $1.442695020e+00, v1  }
0x20: {  	v13 =	vld [tilespmem:$0x2D0];
	v6 =	vsub.f32 $0.0e+00, v6;
	(erf) = vpow2.f32 v0;
	v2 =	vmul.f32 $1.442695020e+00, v2  }
0x21: {  	v14 =	vld [tilespmem:$0x2E0];
	v3 =	vmul.f32 $1.442695020e+00, v3;
	(erf) = vpow2.f32 v7;
	v7 =	vsub.f32 $0.0e+00, v8  }
0x22: {  	v8 =	vld [tilespmem:$0x2F0];
	v6 =	vmul.f32 $1.442695020e+00, v6;
	(erf) = vpow2.f32 v1;
	v1 =	vsub.f32 $0.0e+00, v11  }
0x23: {  	v5 =	vsub.f32 $0.0e+00, v5;
	v0 =	vpop (erf);
	(erf) = vpow2.f32 v2;
	v7 =	vmul.f32 $1.442695020e+00, v7  }
0x24: {  	v17 =	vld [tilespmem:$0x330];
	v1 =	vmul.f32 $1.442695020e+00, v1;
	(erf) = vpow2.f32 v9;
	v9 =	vsub.f32 $0.0e+00, v12;
	v2 =	vpop (erf)  }
0x25: {  	v11 =	vld [tilespmem:$0x310];
	(erf) = vpow2.f32 v4;
	v15 =	vadd.f32 $1.000000000e+00, v2;
	v2 =	vsub.f32 $0.0e+00, v13;
	v4 =	vpop (erf)  }
0x26: {  	v12 =	vsub.f32 $0.0e+00, v14;
	v13 =	vld [tilespmem:$0x320];
	(erf) = vpow2.f32 v7;
	v7 =	vadd.f32 $1.000000000e+00, v4  }
0x27: {  	v14 =	vld [tilespmem:$0x350];
	(erf) = vpow2.f32 v1;
	v16 =	vmul.f32 $1.442695020e+00, v2;
	v2 =	vsub.f32 $0.0e+00, v8  }
0x28: {  	v5 =	vmul.f32 $1.442695020e+00, v5;
	v8 =	vld [tilespmem:$0x340];
	(erf) = vpow2.f32 v6  }
0x29: {  	s10 =	ssub.s32 $0x2, s10;
	v17 =	vsub.f32 $0.0e+00, v17;
	v12 =	vmul.f32 $1.442695020e+00, v12;
	(erf) = vrcp.f32 v7  }
0x2a: {  	s11 =	sshrl.u32 s10, $0x1;
	v22 =	vsub.f32 $0.0e+00, v11;
	v4 =	vmul.f32 $1.442695020e+00, v9;
	v18 =	vpop (erf);
	(erf) = vrcp.f32 v15  }
0x2b: {  	s10 =	ssub.s32 s10, s11;
	v20 =	vld [tilespmem:$0x3B0];
	v1 =	vmul.f32 $1.442695020e+00, v2;
	v6 =	vsub.f32 $0.0e+00, v13;
	(erf) = vpow2.f32 v5;
	v2 =	vpop (erf)  }
0x2c: {  	s10 =	smax.u32 s10, $0x1;
	v11 =	vld [tilespmem:$0x360];
	v23 =	vadd.f32 $1.000000000e+00, v2;
	v2 =	vmul.f32 $1.442695020e+00, v10;
	v9 =	vpop (erf);
	v10 =	vsub.f32 $0.0e+00, v14  }
0x2d: {  	p0 =	sne.s32 s10, $0x1;
	v7 =	vld [tilespmem:$0x230];
	v22 =	vmul.f32 $1.442695020e+00, v22;
	(erf) = vpow2.f32 v3;
	v8 =	vsub.f32 $0.0e+00, v8;
	v5 =	vpop (erf)  }
.Ltmp0:
0x2e: {  	v15 =	vld [tilespmem:$0x380];
	v13 =	vadd.f32 $1.000000000e+00, v18;
	v6 =	vmul.f32 $1.442695020e+00, v6;
	(erf) = vpow2.f32 v12;
	v3 =	vpop (erf);
	(pc) =	sbr.rel @!p0 .LBB2_2-.Ltmp0, $4  }
0x2f: {  	v14 =	vld [tilespmem:$0x3A0];
	v24 =	vadd.f32 $1.000000000e+00, v9;
	(erf) = vpow2.f32 v16;
	v19 =	vadd.f32 $1.000000000e+00, v3;
	v3 =	vpop (erf)  }
0x30: {  	v9 =	vld [tilespmem:$0x390];
	v21 =	vmul.f32 $1.442695020e+00, v10;
	(erf) = vpow2.f32 v6;
	v12 =	vadd.f32 $1.000000000e+00, v5;
	v10 =	vpop (erf)  }
0x31: {  	v16 =	vld [tilespmem:$0x3D0];
	(erf) = vrcp.f32 v23;
	v18 =	vadd.f32 $1.000000000e+00, v3;
	v3 =	vmul.f32 $1.442695020e+00, v8;
	v8 =	vpop (erf)  }
0x32: {  	s5 =	sadd.s32 s5, s9;
	s9 =	sadd.s32 $0xFFFFFFFF, s10;
	v6 =	vld [tilespmem:$0x3C0];
	v5 =	vmul.f32 $1.442695020e+00, v17;
	(erf) = vrcp.f32 v24;
	v17 =	vadd.f32 $1.000000000e+00, v8;
	v8 =	vpop (erf)  }
.LBB2_1:
0x33: {  	p0 =	sne.s32 s9, $0x1;
	s9 =	sadd.s32 $0xFFFFFFFF, s9;
	v7 =	vsub.f32 $0.0e+00, v7;
	v11 =	vsub.f32 $0.0e+00, v11;
	v23 =	vpop (erf);
	(erf) = vpow2.f32 v21  }
0x34: {  	v15 =	vsub.f32 $0.0e+00, v15;
	v20 =	vsub.f32 $0.0e+00, v20;
	[tilespmem:$0x300] =	vst v23;
	(erf) = vpow2.f32 v22;
	v21 =	vpop (erf)  }
0x35: {  	v14 =	vsub.f32 $0.0e+00, v14;
	v7 =	vmul.f32 $1.442695020e+00, v7;
	[tilespmem:$0x370] =	vst v21;
	v21 =	vpop (erf);
	(erf) = vrcp.f32 v19  }
0x36: {  	v9 =	vsub.f32 $0.0e+00, v9;
	v15 =	vmul.f32 $1.442695020e+00, v15;
	(erf) = vrcp.f32 v13;
	v13 =	vpop (erf)  }
0x37: {  	v16 =	vsub.f32 $0.0e+00, v16;
	v19 =	vmul.f32 $1.442695020e+00, v20;
	(erf) = vrcp.f32 v18;
	v18 =	vpop (erf)  }
0x38: {  	v13 =	vadd.f32 $1.000000000e+00, v13;
	v18 =	vadd.f32 $1.000000000e+00, v18;
	v20 =	vpop (erf);
	(erf) = vpow2.f32 v15  }
0x39: {  	v10 =	vadd.f32 $1.000000000e+00, v10;
	v15 =	vadd.f32 $1.000000000e+00, v20;
	v20 =	vpop (erf);
	(erf) = vpow2.f32 v19  }
0x3a: {  	v19 =	vadd.f32 $1.000000000e+00, v21;
	v20 =	vadd.f32 $1.000000000e+00, v20;
	v21 =	vpop (erf);
	(erf) = vrcp.f32 v17  }
0x3b: {  	v0 =	vadd.f32 $1.000000000e+00, v0;
	v11 =	vmul.f32 $1.442695020e+00, v11;
	v17 =	vpop (erf);
	(erf) = vpow2.f32 v7  }
0x3c: {  	v7 =	vmul.f32 $1.442695020e+00, v14;
	[tilespmem:$0x200] =	vst v21;
	(erf) = vpow2.f32 v4;
	v4 =	vpop (erf)  }
0x3d: {  	v8 =	vadd.f32 $1.000000000e+00, v8;
	v4 =	vadd.f32 $1.000000000e+00, v4;
	v14 =	vpop (erf);
	(erf) = vrcp.f32 v0  }
0x3e: {  	v21 =	vsub.f32 $0.0e+00, v6;
	v0 =	vadd.f32 $1.000000000e+00, v14;
	(erf) = vrcp.f32 v12;
	v12 =	vpop (erf)  }
0x3f: {  	v9 =	vmul.f32 $1.442695020e+00, v9;
	v14 =	vpop (erf);
	(erf) = vpow2.f32 v1  }
0x40: {  	v1 =	vmul.f32 $1.442695020e+00, v21;
	[tilespmem:$0x240] =	vst v14;
	v6 =	vpop (erf);
	(erf) = vpow2.f32 v11  }
0x41: {  	v11 =	vmul.f32 $1.442695020e+00, v16;
	[tilespmem:$0x3E0] =	vst v12;
	(erf) = vpow2.f32 v2;
	v2 =	vpop (erf)  }
0x42: {  	[tilespmem:$0x220] =	vst v17;
	v2 =	vadd.f32 $1.000000000e+00, v2;
	(erf) = vpow2.f32 v7;
	v7 =	vpop (erf)  }
0x43: {  	[tilespmem:$0x250] =	vst v6;
	v6 =	vadd.f32 $1.000000000e+00, v7;
	v7 =	vpop (erf);
	(erf) = vrcp.f32 v15  }
0x44: {  	[tilespmem:$0x2B0] =	vst v7;
	v7 =	vpop (erf);
	(erf) = vpow2.f32 v11  }
0x45: {  	v7 =	vadd.f32 $1.000000000e+00, v7;
	v11 =	vpop (erf);
	(erf) = vpow2.f32 v9  }
0x46: {  	v9 =	vadd.f32 $1.000000000e+00, v11;
	(erf) = vpow2.f32 v5;
	v5 =	vpop (erf)  }
0x47: {  	[tilespmem:$0x3F0] =	vst v5;
	v5 =	vpop (erf);
	(erf) = vpow2.f32 v3  }
0x48: {  	[tilespmem:$0x270] =	vst v5;
	v3 =	vpop (erf);
	(erf) = vrcp.f32 v20  }
0x49: {  	v3 =	vadd.f32 $1.000000000e+00, v3;
	(erf) = vrcp.f32 v18;
	v5 =	vpop (erf)  }
0x4a: {  	v5 =	vadd.f32 $1.000000000e+00, v5;
	v11 =	vpop (erf);
	(erf) = vpow2.f32 v1  }
0x4b: {  	v1 =	vadd.f32 $1.000000000e+00, v11;
	(erf) = vrcp.f32 v10;
	v10 =	vpop (erf)  }
0x4c: {  	v10 =	vadd.f32 $1.000000000e+00, v10;
	v11 =	vpop (erf);
	(erf) = vrcp.f32 v4  }
0x4d: {  	[tilespmem:$0x2D0] =	vst v11;
	(erf) = vrcp.f32 v13;
	v4 =	vpop (erf)  }
0x4e: {  	v4 =	vadd.f32 $1.000000000e+00, v4;
	(erf) = vrcp.f32 v19;
	v11 =	vpop (erf)  }
0x4f: {  	v11 =	vadd.f32 $1.000000000e+00, v11;
	(erf) = vrcp.f32 v0;
	v0 =	vpop (erf)  }
0x50: {  	v0 =	vadd.f32 $1.000000000e+00, v0;
	(erf) = vrcp.f32 v8;
	v8 =	vpop (erf)  }
0x51: {  	v8 =	vadd.f32 $1.000000000e+00, v8;
	v12 =	vpop (erf);
	(erf) = vrcp.f32 v4  }
0x52: {  	[tilespmem:$0x320] =	vst v12;
	v4 =	vpop (erf);
	(erf) = vrcp.f32 v2  }
0x53: {  	[tilespmem:$0x2E0] =	vst v4;
	(erf) = vrcp.f32 v5;
	v2 =	vpop (erf)  }
0x54: {  	v2 =	vadd.f32 $1.000000000e+00, v2;
	v4 =	vpop (erf);
	(erf) = vrcp.f32 v6  }
0x55: {  	[tilespmem:$0x2A0] =	vst v4;
	(erf) = vrcp.f32 v7;
	v4 =	vpop (erf)  }
0x56: {  	[tilespmem:$0x350] =	vst v4;
	v4 =	vpop (erf);
	(erf) = vrcp.f32 v10  }
0x57: {  	[tilespmem:$0x260] =	vst v4;
	v4 =	vpop (erf);
	(erf) = vrcp.f32 v11  }
0x58: {  	[tilespmem:$0x290] =	vst v4;
	v4 =	vpop (erf);
	(erf) = vrcp.f32 v0  }
0x59: {  	[tilespmem:$0x310] =	vst v4;
	(erf) = vrcp.f32 v1;
	v0 =	vpop (erf)  }
0x5a: {  	[tilespmem:$0x280] =	vst v0;
	(erf) = vrcp.f32 v3;
	v0 =	vpop (erf)  }
0x5b: {  	[tilespmem:$0x3D0] =	vst v0;
	(erf) = vrcp.f32 v8;
	v0 =	vpop (erf)  }
0x5c: {  	[tilespmem:$0x380] =	vst v0;
	v0 =	vpop (erf);
	(erf) = vrcp.f32 v2  }
0x5d: {  	[tilespmem:$0x360] =	vst v0;
	(erf) = vrcp.f32 v9;
	v0 =	vpop (erf)  }
0x5e: {  	[tilespmem:$0x3B0] =	vst v0;
	v0 =	vpop (erf)  }
0x5f: {  	[tilespmem:$0x230] =	vst v0;
	v0 =	vpop (erf)  }
0x60: {  	[tilespmem:$0x3A0] =	vst v0;
	v0 =	vpop (erf)  }
0x61: {  	[tilespmem:$0x390] =	vst v0;
	v0 =	vpop (erf)  }
0x62: {  	[tilespmem:$0x330] =	vst v0;
	v0 =	vpop (erf)  }
0x63: {  	[tilespmem:$0x210] =	vst v0;
	v0 =	vpop (erf)  }
0x64: {  	[tilespmem:$0x2F0] =	vst v0;
	v0 =	vpop (erf)  }
0x65: {  	[tilespmem:$0x340] =	vst v0;
	v0 =	vpop (erf)  }
0x66: {  	[tilespmem:$0x3C0] =	vst v0;
	v0 =	vpop (erf)  }
0x67: {  	[tilespmem:$0x2C0] =	vst v0  }
0x68: {  	[hbm4b:s5+s2] =	stream.linear.scatter [tilespmem:s4], [sflag:$0x2], $0x200, $0x38;
	[tilespmem:$0x400] =	vst v63  }
0x69: {  	_ =	swait.ge [sflag:s3], $0x200  }
0x6a: {  	[sflag:s3] =	ssyncset.done $0x0  }
0x6b: {  	[sflag:s3] =	ssyncadd.s32 $0xFFFFFE00  }
0x6c: {  	[tilespmem:s2], [sflag:$0x2] =	stream.linear.gather [hbm4b:s7+s2], $0x200, $0x38;
	[tilespmem:$0x400] =	vst v63  }
0x6d: {  	_ =	swait.ge [sflag:s3], $0x200  }
0x6e: {  	[sflag:s3] =	ssyncset.done $0x0  }
0x6f: {  	[sflag:s3] =	ssyncadd.s32 $0xFFFFFE00  }
0x70: {  	[tilespmem:s4], [sflag:$0x1] =	stream.indirect.gather [hbm4b:s6+s4], $0x1, s2, s4, $0xb8;
	[tilespmem:$0x400] =	vst v63  }
0x71: {  	_ =	swait.ge [sflag:s8], $0x200  }
0x72: {  	[sflag:s8] =	ssyncset.done $0x0  }
0x73: {  	[sflag:s8] =	ssyncadd.s32 $0xFFFFFE00  }
0x74: {  	v0 =	vld [tilespmem:$0x3F0]  }
0x75: {  	v1 =	vld [tilespmem:$0x370]  }
0x76: {  	v2 =	vld [tilespmem:$0x300]  }
0x77: {  	v3 =	vld [tilespmem:$0x260]  }
0x78: {  	v4 =	vld [tilespmem:$0x250]  }
0x79: {  	v5 =	vld [tilespmem:$0x240];
	v0 =	vsub.f32 $0.0e+00, v0  }
0x7a: {  	v6 =	vld [tilespmem:$0x220];
	v1 =	vsub.f32 $0.0e+00, v1  }
0x7b: {  	v7 =	vld [tilespmem:$0x210];
	v2 =	vsub.f32 $0.0e+00, v2;
	v0 =	vmul.f32 $1.442695020e+00, v0  }
0x7c: {  	v8 =	vld [tilespmem:$0x200];
	v1 =	vmul.f32 $1.442695020e+00, v1  }
0x7d: {  	v2 =	vmul.f32 $1.442695020e+00, v2;
	v9 =	vld [tilespmem:$0x3E0];
	(erf) = vpow2.f32 v0  }
0x7e: {  	v0 =	vld [tilespmem:$0x270];
	(erf) = vpow2.f32 v1  }
0x7f: {  	v1 =	vsub.f32 $0.0e+00, v6;
	v6 =	vld [tilespmem:$0x280];
	(erf) = vpow2.f32 v2  }
0x80: {  	v5 =	vsub.f32 $0.0e+00, v5;
	v2 =	vsub.f32 $0.0e+00, v7;
	v7 =	vld [tilespmem:$0x290]  }
0x81: {  	v4 =	vsub.f32 $0.0e+00, v4;
	v8 =	vsub.f32 $0.0e+00, v8;
	v1 =	vmul.f32 $1.442695020e+00, v1;
	v10 =	vld [tilespmem:$0x2A0]  }
0x82: {  	v3 =	vsub.f32 $0.0e+00, v3;
	v5 =	vmul.f32 $1.442695020e+00, v5;
	v11 =	vld [tilespmem:$0x2B0];
	v9 =	vsub.f32 $0.0e+00, v9  }
0x83: {  	v4 =	vmul.f32 $1.442695020e+00, v4;
	v8 =	vmul.f32 $1.442695020e+00, v8;
	v16 =	vsub.f32 $0.0e+00, v0;
	v12 =	vld [tilespmem:$0x2C0]  }
0x84: {  	v6 =	vsub.f32 $0.0e+00, v6;
	v13 =	vld [tilespmem:$0x2D0];
	v9 =	vmul.f32 $1.442695020e+00, v9;
	(erf) = vpow2.f32 v5  }
0x85: {  	v17 =	vmul.f32 $1.442695020e+00, v16;
	v18 =	vsub.f32 $0.0e+00, v7;
	v15 =	vld [tilespmem:$0x2E0];
	(erf) = vpow2.f32 v8  }
0x86: {  	v6 =	vmul.f32 $1.442695020e+00, v6;
	v8 =	vsub.f32 $0.0e+00, v10;
	v10 =	vld [tilespmem:$0x2F0];
	(erf) = vpow2.f32 v1;
	v0 =	vpop (erf)  }
0x87: {  	v7 =	vld [tilespmem:$0x230];
	v16 =	vmul.f32 $1.442695020e+00, v18;
	v1 =	vsub.f32 $0.0e+00, v11;
	(erf) = vpow2.f32 v17;
	v5 =	vpop (erf)  }
0x88: {  	v3 =	vmul.f32 $1.442695020e+00, v3;
	v8 =	vmul.f32 $1.442695020e+00, v8;
	v11 =	vld [tilespmem:$0x310];
	v5 =	vadd.f32 $1.000000000e+00, v5;
	v14 =	vpop (erf)  }
0x89: {  	v1 =	vmul.f32 $1.442695020e+00, v1;
	v13 =	vsub.f32 $0.0e+00, v13;
	v17 =	vld [tilespmem:$0x320];
	(erf) = vpow2.f32 v9  }
0x8a: {  	v9 =	vsub.f32 $0.0e+00, v12;
	v12 =	vsub.f32 $0.0e+00, v15;
	v18 =	vld [tilespmem:$0x330];
	(erf) = vpow2.f32 v4  }
0x8b: {  	v22 =	vmul.f32 $1.442695020e+00, v13;
	v4 =	vsub.f32 $0.0e+00, v10;
	v10 =	vld [tilespmem:$0x340];
	(erf) = vpow2.f32 v8  }
0x8c: {  	v14 =	vadd.f32 $1.000000000e+00, v14;
	v8 =	vmul.f32 $1.442695020e+00, v12;
	v19 =	vld [tilespmem:$0x350];
	(erf) = vpow2.f32 v1  }
0x8d: {  	v1 =	vmul.f32 $1.442695020e+00, v4;
	v23 =	vsub.f32 $0.0e+00, v11;
	v11 =	vld [tilespmem:$0x360];
	v13 =	vpop (erf);
	(erf) = vpow2.f32 v6  }
0x8e: {  	v4 =	vmul.f32 $1.442695020e+00, v9;
	v6 =	vsub.f32 $0.0e+00, v17;
	v15 =	vld [tilespmem:$0x380];
	v9 =	vpop (erf);
	(erf) = vrcp.f32 v14  }
0x8f: {  	v2 =	vmul.f32 $1.442695020e+00, v2;
	v17 =	vadd.f32 $1.000000000e+00, v9;
	v9 =	vld [tilespmem:$0x390];
	v12 =	vpop (erf);
	(erf) = vrcp.f32 v5  }
0x90: {  	v13 =	vadd.f32 $1.000000000e+00, v13;
	v24 =	vadd.f32 $1.000000000e+00, v12;
	v14 =	vld [tilespmem:$0x3A0];
	v5 =	vpop (erf);
	(erf) = vpow2.f32 v16  }
0x91: {  	v27 =	vsub.f32 $0.0e+00, v10;
	v12 =	vsub.f32 $0.0e+00, v19;
	v20 =	vld [tilespmem:$0x3B0];
	(erf) = vpow2.f32 v3  }
.Ltmp1:
0x92: {  	v26 =	vsub.f32 $0.0e+00, v18;
	v25 =	vmul.f32 $1.442695020e+00, v6;
	v6 =	vld [tilespmem:$0x3C0];
	(erf) = vpow2.f32 v8;
	v3 =	vpop (erf);
	(pc) =	sbr.rel @p0 .LBB2_1-.Ltmp1, $4  }
0x93: {  	v21 =	vmul.f32 $1.442695020e+00, v12;
	v16 =	vld [tilespmem:$0x3D0];
	v19 =	vadd.f32 $1.000000000e+00, v3;
	v3 =	vpop (erf);
	(erf) = vpow2.f32 v22  }
0x94: {  	v18 =	vadd.f32 $1.000000000e+00, v3;
	v3 =	vmul.f32 $1.442695020e+00, v27;
	v10 =	vpop (erf);
	(erf) = vpow2.f32 v25  }
0x95: {  	v12 =	vadd.f32 $1.000000000e+00, v5;
	v5 =	vmul.f32 $1.442695020e+00, v26;
	(erf) = vrcp.f32 v17;
	v8 =	vpop (erf)  }
0x96: {  	v22 =	vmul.f32 $1.442695020e+00, v23;
	v17 =	vadd.f32 $1.000000000e+00, v8;
	(erf) = vrcp.f32 v24;
	v8 =	vpop (erf)  }
.LBB2_2:
0x97: {  	v23 =	vpop (erf);
	(erf) = vpow2.f32 v21  }
0x98: {  	v15 =	vsub.f32 $0.0e+00, v15;
	(erf) = vpow2.f32 v22;
	v34 =	vpop (erf)  }
0x99: {  	v20 =	vsub.f32 $0.0e+00, v20;
	v35 =	vpop (erf);
	(erf) = vrcp.f32 v19  }
0x9a: {  	v15 =	vmul.f32 $1.442695020e+00, v15;
	(erf) = vrcp.f32 v13;
	v36 =	vpop (erf)  }
0x9b: {  	v7 =	vsub.f32 $0.0e+00, v7;
	v37 =	vmul.f32 $1.442695020e+00, v20;
	(erf) = vrcp.f32 v18;
	v38 =	vpop (erf)  }
0x9c: {  	v39 =	vpop (erf);
	(erf) = vpow2.f32 v15  }
0x9d: {  	v7 =	vmul.f32 $1.442695020e+00, v7;
	v40 =	vpop (erf);
	(erf) = vpow2.f32 v37  }
0x9e: {  	v41 =	vpop (erf);
	(erf) = vrcp.f32 v17  }
0x9f: {  	v0 =	vadd.f32 $1.000000000e+00, v0;
	v42 =	vpop (erf);
	(erf) = vpow2.f32 v7  }
0xa0: {  	v43 =	vsub.f32 $0.0e+00, v11;
	(erf) = vpow2.f32 v4;
	v44 =	vpop (erf)  }
0xa1: {  	v45 =	vpop (erf);
	(erf) = vrcp.f32 v0  }
0xa2: {  	v46 =	vsub.f32 $0.0e+00, v14;
	v7 =	vmul.f32 $1.442695020e+00, v43;
	(erf) = vrcp.f32 v12;
	v47 =	vpop (erf)  }
0xa3: {  	v48 =	vpop (erf);
	(erf) = vpow2.f32 v1  }
0xa4: {  	v49 =	vsub.f32 $0.0e+00, v16;
	v0 =	vmul.f32 $1.442695020e+00, v46;
	v50 =	vpop (erf);
	(erf) = vpow2.f32 v7  }
0xa5: {  	v51 =	vsub.f32 $0.0e+00, v9;
	v52 =	vadd.f32 $1.000000000e+00, v39;
	(erf) = vpow2.f32 v2;
	v53 =	vpop (erf)  }
0xa6: {  	v1 =	vmul.f32 $1.442695020e+00, v49;
	(erf) = vpow2.f32 v0;
	v54 =	vpop (erf)  }
0xa7: {  	v7 =	vmul.f32 $1.442695020e+00, v51;
	v55 =	vpop (erf);
	(erf) = vrcp.f32 v52  }
0xa8: {  	v56 =	vpop (erf);
	(erf) = vpow2.f32 v1  }
0xa9: {  	v57 =	vpop (erf);
	(erf) = vpow2.f32 v7  }
0xaa: {  	v6 =	vsub.f32 $0.0e+00, v6;
	v58 =	vadd.f32 $1.000000000e+00, v40;
	(erf) = vpow2.f32 v5;
	v59 =	vpop (erf)  }
0xab: {  	v60 =	vadd.f32 $1.000000000e+00, v38;
	v61 =	vpop (erf);
	(erf) = vpow2.f32 v3  }
0xac: {  	[tilespmem:$0x300] =	vst v23;
	v62 =	vmul.f32 $1.442695020e+00, v6;
	v63 =	vpop (erf);
	(erf) = vrcp.f32 v58  }
0xad: {  	v21 =	vadd.f32 $1.000000000e+00, v10;
	[tilespmem:$0x370] =	vst v34;
	(erf) = vrcp.f32 v60;
	v23 =	vpop (erf)  }
0xae: {  	[tilespmem:$0x200] =	vst v41;
	v4 =	vadd.f32 $1.000000000e+00, v44;
	v24 =	vpop (erf);
	(erf) = vpow2.f32 v62  }
0xaf: {  	v25 =	vadd.f32 $1.000000000e+00, v36;
	[tilespmem:$0x220] =	vst v42;
	(erf) = vrcp.f32 v21;
	v26 =	vpop (erf)  }
0xb0: {  	v27 =	vadd.f32 $1.000000000e+00, v35;
	[tilespmem:$0x3E0] =	vst v47;
	v28 =	vpop (erf);
	(erf) = vrcp.f32 v4  }
0xb1: {  	v29 =	vadd.f32 $1.000000000e+00, v45;
	[tilespmem:$0x240] =	vst v48;
	(erf) = vrcp.f32 v25;
	v30 =	vpop (erf)  }
0xb2: {  	v8 =	vadd.f32 $1.000000000e+00, v8;
	[tilespmem:$0x250] =	vst v50;
	(erf) = vrcp.f32 v27;
	v31 =	vpop (erf)  }
0xb3: {  	[tilespmem:$0x2B0] =	vst v55;
	v3 =	vadd.f32 $1.000000000e+00, v30;
	(erf) = vrcp.f32 v29;
	v32 =	vpop (erf)  }
0xb4: {  	v2 =	vadd.f32 $1.000000000e+00, v53;
	[tilespmem:$0x3F0] =	vst v59;
	(erf) = vrcp.f32 v8;
	v33 =	vpop (erf)  }
0xb5: {  	[tilespmem:$0x270] =	vst v61;
	v34 =	vadd.f32 $1.000000000e+00, v23;
	v35 =	vpop (erf);
	(erf) = vrcp.f32 v3  }
0xb6: {  	v0 =	vadd.f32 $1.000000000e+00, v54;
	[tilespmem:$0x2D0] =	vst v28;
	v36 =	vpop (erf);
	(erf) = vrcp.f32 v2  }
0xb7: {  	v37 =	vadd.f32 $1.000000000e+00, v56;
	[tilespmem:$0x320] =	vst v35;
	(erf) = vrcp.f32 v34;
	v38 =	vpop (erf)  }
0xb8: {  	v7 =	vadd.f32 $1.000000000e+00, v26;
	[tilespmem:$0x2E0] =	vst v36;
	v39 =	vpop (erf);
	(erf) = vrcp.f32 v0  }
0xb9: {  	v40 =	vadd.f32 $1.000000000e+00, v31;
	[tilespmem:$0x2A0] =	vst v39;
	(erf) = vrcp.f32 v37;
	v41 =	vpop (erf)  }
0xba: {  	v42 =	vadd.f32 $1.000000000e+00, v32;
	[tilespmem:$0x350] =	vst v41;
	v43 =	vpop (erf);
	(erf) = vrcp.f32 v7  }
0xbb: {  	v44 =	vadd.f32 $1.000000000e+00, v24;
	[tilespmem:$0x260] =	vst v43;
	v45 =	vpop (erf);
	(erf) = vrcp.f32 v40  }
0xbc: {  	v46 =	vadd.f32 $1.000000000e+00, v63;
	[tilespmem:$0x290] =	vst v45;
	v47 =	vpop (erf);
	(erf) = vrcp.f32 v42  }
0xbd: {  	v48 =	vadd.f32 $1.000000000e+00, v33;
	[tilespmem:$0x310] =	vst v47;
	(erf) = vrcp.f32 v44;
	v49 =	vpop (erf)  }
0xbe: {  	v50 =	vadd.f32 $1.000000000e+00, v38;
	[tilespmem:$0x280] =	vst v49;
	(erf) = vrcp.f32 v46;
	v51 =	vpop (erf)  }
0xbf: {  	v1 =	vadd.f32 $1.000000000e+00, v57;
	[tilespmem:$0x3D0] =	vst v51;
	(erf) = vrcp.f32 v48;
	v52 =	vpop (erf)  }
0xc0: {  	[tilespmem:$0x380] =	vst v52;
	v53 =	vpop (erf);
	(erf) = vrcp.f32 v50  }
0xc1: {  	[tilespmem:$0x360] =	vst v53;
	(erf) = vrcp.f32 v1;
	v54 =	vpop (erf)  }
0xc2: {  	[tilespmem:$0x3B0] =	vst v54;
	v55 =	vpop (erf)  }
0xc3: {  	[tilespmem:$0x230] =	vst v55;
	v56 =	vpop (erf)  }
0xc4: {  	[tilespmem:$0x3A0] =	vst v56;
	v57 =	vpop (erf)  }
0xc5: {  	[tilespmem:$0x390] =	vst v57;
	v58 =	vpop (erf)  }
0xc6: {  	[tilespmem:$0x330] =	vst v58;
	v59 =	vpop (erf)  }
0xc7: {  	[tilespmem:$0x210] =	vst v59;
	v60 =	vpop (erf)  }
0xc8: {  	[tilespmem:$0x2F0] =	vst v60;
	v61 =	vpop (erf)  }
0xc9: {  	[tilespmem:$0x340] =	vst v61;
	v62 =	vpop (erf)  }
0xca: {  	[tilespmem:$0x3C0] =	vst v62;
	v63 =	vpop (erf)  }
0xcb: {  	[tilespmem:$0x2C0] =	vst v63  }
0xcc: {  	[hbm4b:s5+s2] =	stream.linear.scatter [tilespmem:s4], [sflag:$0x2], $0x200, $0x38;
	[tilespmem:$0x400] =	vst v63  }
0xcd: {  	_ =	swait.ge [sflag:s3], $0x200  }
0xce: {  	[sflag:s3] =	ssyncset.done $0x0  }
0xcf: {  	[sflag:s3] =	ssyncadd.s32 $0xFFFFFE00  }
0xd0: {  	_ =	sfence.sel $0x180000  }
0xd1: {  	[bflag:$0x0] =	sbarrier.arrive $0xFFFF  }
0xd2: {  	p0 =	sne.s32 s1, $0x0;
	_ =	strace $0x90000047  }
0xd3: {  	s0 =	sadd.s32 @!p0 $0x100000, s0;
	[bflag:$0x2] =	sbarrier.arrive $0xFFFF  }
0xd4: {  	[sflag:s0] =	ssyncadd.tile.s32 @!p0 $0x1;
	_ =	shalt  }
.Lfunc_end2:
_tile_overlayer_lowered:
.L_overlay_start_2:
0xd5: {  	(tag) =	ssettag $0x2  }
0xd6: {  	s0 =	rddreg [dreg:$0x0];
	s2 =	stileid.u32  }
0xd7: {  	s1 =	rddreg [dreg:$0x1];
	p0 =	sne.s32 s2, $0x0  }
0xd8: {  	s3 =	rddreg [dreg:$0x2];
	[bflag:$0x3] =	sbarrier.arrive $0xFFFF;
	s2 =	simm.s32 @!p0 $0x1C02  }
0xd9: {  	[timem:s3], [sflag:s2] =	dma.local @!p0 [hbm:s0], s1  }
0xda: {  	s0 =	simm.s32 @!p0 $0x2  }
0xdb: {  	_ =	swait.ge @!p0 [sflag:s0], s1  }
0xdc: {  	s1 =	ssub.s32 @!p0 $0x0, s1;
	[sflag:s0] =	ssyncset.done @!p0 $0x0  }
0xdd: {  	[sflag:s0] =	ssyncadd.s32 @!p0 s1  }
0xde: {  	[bflag:$0x3] =	sbarrier.arrive $0xFFFF  }
0xdf: {  	_ =	shalt  }

</sc_bundles>
